<compile_context>
chip_gen: v7x
topology: tpu7x:2x2x1
jax: 0.10.2.dev20260603
libtpu: 0.0.44.dev20260713+nightly
codegen_flags: <defaults>
</compile_context>

<pallas_src>
import functools

import jax
import jax.numpy as jnp
from jax import lax
from jax.experimental import pallas as pl
from jax.experimental.pallas import tpu as pltpu
from jax.experimental.pallas import tpu_sc as plsc

B, N, M, C, K = 16, 2048, 2048, 256, 3
TN = 1024
NC, NS, L = 2, 16, 16
NW = NC * NS
SUB = 16
NCH = 1
CB = B // NCH


def _topk_body(boff, xyz_ref, cxyz_ref, f_ref, idx_ref, w_ref, ft_ref):
    ft_ref[0] = jnp.transpose(f_ref[0], (1, 0))
    b = pl.program_id(0)
    x = xyz_ref[0]
    c = cxyz_ref[0]
    xb = x.astype(jnp.bfloat16).astype(jnp.float32)
    cb = c.astype(jnp.bfloat16).astype(jnp.float32)
    x2 = (x[0:1] * x[0:1] + x[1:2] * x[1:2]) + x[2:3] * x[2:3]
    c2 = (c[:, 0:1] * c[:, 0:1] + c[:, 1:2] * c[:, 1:2]) + c[:, 2:3] * c[:, 2:3]
    dot = cb[:, 0:1] * xb[0:1]
    dot = dot + cb[:, 1:2] * xb[1:2]
    dot = dot + cb[:, 2:3] * xb[2:3]
    cur = jnp.maximum((x2 + c2) - 2.0 * dot, 1e-12)
    iota = lax.broadcasted_iota(jnp.int32, (M, TN), 0)
    ds, js = [], []
    for t in range(K):
        m = jnp.min(cur, axis=0, keepdims=True)
        i = jnp.min(jnp.where(cur == m, iota, M), axis=0, keepdims=True)
        ds.append(m)
        js.append(i)
        if t < K - 1:
            cur = jnp.where(iota == i, jnp.float32(3.0e38), cur)
    d = jnp.sqrt(jnp.concatenate(ds, axis=0))
    w = 1.0 / jnp.maximum(d, 1e-8)
    wn = w / jnp.sum(w, axis=0, keepdims=True)
    idx_ref[...] = jnp.concatenate(js, axis=0) + b * M
    w_ref[...] = wn


def _nearest_tc(xyz_t, cxyz, fc, boff):
    nt = N // TN
    pc = CB * N
    return pl.pallas_call(
        functools.partial(_topk_body, boff),
        grid=(CB, nt),
        in_specs=[
            pl.BlockSpec((1, 3, TN), lambda b, n: (b, 0, n)),
            pl.BlockSpec((1, M, 3), lambda b, n: (b, 0, 0)),
            pl.BlockSpec((1, C, M // nt), lambda b, n: (b, 0, n)),
        ],
        out_specs=[
            pl.BlockSpec((K, TN), lambda b, n: (0, b * nt + n)),
            pl.BlockSpec((K, TN), lambda b, n: (0, b * nt + n)),
            pl.BlockSpec((1, M // nt, C), lambda b, n: (b, n, 0)),
        ],
        out_shape=[
            jax.ShapeDtypeStruct((K, pc), jnp.int32),
            jax.ShapeDtypeStruct((K, pc), jnp.float32),
            jax.ShapeDtypeStruct((CB, M, C), jnp.float32),
        ],
    )(xyz_t, cxyz, fc)


def _interp_body(table_hbm, idx_hbm, w_hbm, out_hbm,
                 idx_v, w_v, rows0, rows1, o0, o1,
                 sem_g0, sem_g1, sem_o0, sem_o1):
    pc = CB * N
    pw = pc // NW
    nsub = pw // SUB
    wid = lax.axis_index("s") * NC + lax.axis_index("c")
    base = pl.multiple_of(wid * pw, pw)
    for j in range(K):
        pltpu.sync_copy(idx_hbm.at[pl.ds(j * pc + base, pw)], idx_v.at[pl.ds(j * pw, pw)])
        pltpu.sync_copy(w_hbm.at[pl.ds(j * pc + base, pw)], w_v.at[pl.ds(j * pw, pw)])

    def issue_gather(s, rows, sem):
        off = pl.multiple_of(s * SUB, SUB)
        for j in range(K):
            pltpu.async_copy(
                table_hbm.at[idx_v.at[pl.ds(j * pw + off, SUB)]],
                rows.at[pl.ds(j * SUB, SUB)], sem)

    def wait_gather(rows, sem):
        pltpu.make_async_copy(table_hbm.at[pl.ds(0, K * SUB)], rows, sem).wait()

    def wait_out(o, sem):
        pltpu.make_async_copy(o, out_hbm.at[pl.ds(base, SUB)], sem).wait()

    def issue_out(s, o, sem):
        off = pl.multiple_of(s * SUB, SUB)
        pltpu.async_copy(o, out_hbm.at[pl.ds(base + off, SUB)], sem)

    def compute(s, rows, o):
        off = pl.multiple_of(s * SUB, SUB)
        wvs = [w_v[pl.ds(j * pw + off, L)] for j in range(K)]
        dn = lax.GatherDimensionNumbers(offset_dims=(), collapsed_slice_dims=(0,),
                                        start_index_map=(0,))

        @pl.loop(0, SUB)
        def _pt(pidx):
            lane = jnp.full((L, 1), pidx, jnp.int32)
            w0, w1, w2 = (lax.gather(wv, lane, dn, slice_sizes=(1,),
                                     mode=lax.GatherScatterMode.PROMISE_IN_BOUNDS)
                          for wv in wvs)
            for cc in range(C // L):
                sl = pl.ds(cc * L, L)
                r0 = rows[pidx, sl]
                r1 = rows[SUB + pidx, sl]
                r2 = rows[2 * SUB + pidx, sl]
                o[pidx, sl] = r0 * w0 + r1 * w1 + r2 * w2

    issue_gather(0, rows0, sem_g0)

    @pl.loop(0, nsub, step=2)
    def _ring(s0):
        wait_gather(rows0, sem_g0)
        issue_gather(s0 + 1, rows1, sem_g1)

        @pl.when(s0 >= 2)
        def _():
            wait_out(o0, sem_o0)

        compute(s0, rows0, o0)
        issue_out(s0, o0, sem_o0)

        wait_gather(rows1, sem_g1)

        @pl.when(s0 + 2 < nsub)
        def _():
            issue_gather(s0 + 2, rows0, sem_g0)

        @pl.when(s0 >= 2)
        def _():
            wait_out(o1, sem_o1)

        compute(s0 + 1, rows1, o1)
        issue_out(s0 + 1, o1, sem_o1)

    wait_out(o0, sem_o0)
    wait_out(o1, sem_o1)


@functools.cache
def _interp_sc():
    pc = CB * N
    pw = pc // NW
    return pl.kernel(
        _interp_body,
        out_type=jax.ShapeDtypeStruct((pc, C), jnp.float32),
        mesh=plsc.VectorSubcoreMesh(core_axis_name="c", subcore_axis_name="s",
                                    num_cores=NC, num_subcores=NS),
        scratch_types=[
            pltpu.VMEM((K * pw,), jnp.int32),
            pltpu.VMEM((K * pw,), jnp.float32),
            pltpu.VMEM((K * SUB, C), jnp.float32),
            pltpu.VMEM((K * SUB, C), jnp.float32),
            pltpu.VMEM((SUB, C), jnp.float32),
            pltpu.VMEM((SUB, C), jnp.float32),
            pltpu.SemaphoreType.DMA,
            pltpu.SemaphoreType.DMA,
            pltpu.SemaphoreType.DMA,
            pltpu.SemaphoreType.DMA,
        ],
    )


def kernel(p, f):
    xyz_t = jnp.transpose(p[0], (0, 2, 1))
    cxyz = p[1]
    pc = CB * N
    outs = []
    for ch in range(NCH):
        bs = slice(ch * CB, (ch + 1) * CB)
        idx, w, ft = _nearest_tc(xyz_t[bs], cxyz[bs], f[0][bs], ch * CB)
        outs.append(_interp_sc()(ft.reshape(CB * M, C),
                                 idx.reshape(K * pc), w.reshape(K * pc)))
    return jnp.concatenate(outs, axis=0).reshape(B, N, C)

# --- scband reference (transcript-rebuilt; emitter-appended) ---
"""Pipeline reference for scband-point-set-abstraction-msg-31061203485291 (READ-ONLY COPY).

The authoritative reference and input builder live on the scoring server;
editing this copy changes nothing except your own understanding.
"""

import jax, jax.numpy as jnp
import numpy as np

def setup_inputs(seed: int = 0) -> dict:
    key = jax.random.key(seed)
    k1, k2 = jax.random.split(key)
    p = jax.random.normal(k1, (2, 16, 2048, 3), dtype=jnp.float32)
    f = jax.random.normal(k2, (1, 16, 256, 2048), dtype=jnp.float32)
    return {"p": p, "f": f}

def reference(p, f):
    k = 3
    xyz = p[0]                                  # [B, N, 3]
    centroid_xyz = p[-1]                        # [B, M, 3]
    centroid_features = jnp.transpose(f[-1], (0, 2, 1))  # [B, M, C]
    # torch.cdist(p=2) equivalent via ||x||^2 + ||y||^2 - 2 x.y
    sq = (jnp.sum(xyz ** 2, axis=-1)[:, :, None]
          + jnp.sum(centroid_xyz ** 2, axis=-1)[:, None, :]
          - 2.0 * jnp.einsum('bnd,bmd->bnm', xyz, centroid_xyz))
    distances = jnp.sqrt(jnp.maximum(sq, 1e-12))          # [B, N, M]
    # torch.topk(largest=False, sorted=True) == top_k on negated values
    neg_vals, nearest_centroid_indices = jax.lax.top_k(-distances, k)
    d_near = -neg_vals                                    # [B, N, k], ascending
    weights = 1.0 / jnp.maximum(d_near, 1e-08)            # clamp_min(epsilon)
    sum_weights = jnp.sum(weights, axis=2, keepdims=True)
    norm_w = weights / sum_weights                        # [B, N, k]
    B, N, _ = nearest_centroid_indices.shape
    C = centroid_features.shape[-1]
    flat_idx = nearest_centroid_indices.reshape(B, N * k)
    gathered = jnp.take_along_axis(centroid_features, flat_idx[:, :, None], axis=1)
    gathered = gathered.reshape(B, N, k, C)               # [B, N, k, C]
    out = jnp.sum(norm_w[..., None] * gathered, axis=2)   # [B, N, C]
    return out

if __name__ == "__main__":
    import jax
    _d = setup_inputs()
    print(jax.jit(kernel)(*tuple(_d.values())))

</pallas_src>

<mosaic_0001>
#map = affine_map<(d0, d1) -> (0, 0)>
#map1 = affine_map<(d0, d1) -> (0)>
module attributes {stable_mosaic.version = 14 : i64} {
  func.func @_interp_body(%arg0: i32, %arg1: i32, %arg2: memref<32768x256xf32, #tpu.memory_space<hbm>>, %arg3: memref<98304xi32, #tpu.memory_space<hbm>>, %arg4: memref<98304xf32, #tpu.memory_space<hbm>>, %arg5: memref<32768x256xf32, #tpu.memory_space<hbm>>, %arg6: memref<3072xi32, #tpu.memory_space<vmem>>, %arg7: memref<3072xf32, #tpu.memory_space<vmem>>, %arg8: memref<48x256xf32, #tpu.memory_space<vmem>>, %arg9: memref<48x256xf32, #tpu.memory_space<vmem>>, %arg10: memref<16x256xf32, #tpu.memory_space<vmem>>, %arg11: memref<16x256xf32, #tpu.memory_space<vmem>>, %arg12: memref<!tpu.dma_semaphore, #tpu.memory_space<semaphore_mem>>, %arg13: memref<!tpu.dma_semaphore, #tpu.memory_space<semaphore_mem>>, %arg14: memref<!tpu.dma_semaphore, #tpu.memory_space<semaphore_mem>>, %arg15: memref<!tpu.dma_semaphore, #tpu.memory_space<semaphore_mem>>) attributes {dimension_semantics = [#tpu.dimension_semantics<core_parallel>, #tpu.dimension_semantics<subcore_parallel>], iteration_bounds = array<i64: 2, 16>, scalar_prefetch = 0 : i64, scratch_operands = 10 : i64, tpu.core_type = #tpu.core_type<sc_vector_subcore>, window_params = [{transform_indices = #map}, {transform_indices = #map1}, {transform_indices = #map1}, {transform_indices = #map}]} {
    %mul3A = arith.constant 2 : i32
    %mul3A_0 = arith.muli %arg1, %mul3A : i32
    %add3A = arith.addi %mul3A_0, %arg0 : i32
    %mul3A_1 = arith.constant 1024 : i32
    %mul3A_2 = arith.muli %add3A, %mul3A_1 : i32
    %multiple_of3A = tpu.assume_multiple %mul3A_2, 1024 : i32
    %add3A_3 = arith.constant 0 : i32
    %add3A_4 = arith.addi %add3A_3, %multiple_of3A : i32
    "tpu.region"() ({
      %run_scoped3A = tpu.sem_alloc : memref<!tpu.dma_semaphore, #tpu.memory_space<semaphore_mem>>
      %dma_start3A_54 = arith.constant 0 : i32
      %dma_start3A_55 = tpu.memref_slice %arg6[%dma_start3A_54] : memref<3072xi32, #tpu.memory_space<vmem>> -> memref<1024xi32, #tpu.memory_space<vmem>>
      %dma_start3A_56 = tpu.memref_slice %arg3[%add3A_4] : memref<98304xi32, #tpu.memory_space<hbm>> -> memref<1024xi32, #tpu.memory_space<hbm>>
      %dma_start3A_57 = arith.constant 0 : i32
      %dma_start3A_58 = tpu.memref_slice %arg6[%dma_start3A_57] : memref<3072xi32, #tpu.memory_space<vmem>> -> memref<1024xi32, #tpu.memory_space<vmem>>
      %dma_start3A_59 = tpu.memref_slice %arg3[%add3A_4] : memref<98304xi32, #tpu.memory_space<hbm>> -> memref<1024xi32, #tpu.memory_space<hbm>>
      tpu.enqueue_dma source(%dma_start3A_59 : memref<1024xi32, #tpu.memory_space<hbm>>) target(%dma_start3A_58 : memref<1024xi32, #tpu.memory_space<vmem>>) target_semaphore(%run_scoped3A : memref<!tpu.dma_semaphore, #tpu.memory_space<semaphore_mem>>)
      %dma_wait3A_60 = arith.constant 0 : i32
      %dma_wait3A_61 = tpu.memref_slice %arg6[%dma_wait3A_60] : memref<3072xi32, #tpu.memory_space<vmem>> -> memref<1024xi32, #tpu.memory_space<vmem>>
      %dma_wait3A_62 = tpu.memref_slice %arg3[%add3A_4] : memref<98304xi32, #tpu.memory_space<hbm>> -> memref<1024xi32, #tpu.memory_space<hbm>>
      %dma_wait3A_63 = arith.constant 0 : i32
      %dma_wait3A_64 = tpu.memref_slice %arg6[%dma_wait3A_63] : memref<3072xi32, #tpu.memory_space<vmem>> -> memref<1024xi32, #tpu.memory_space<vmem>>
      %dma_wait3A_65 = tpu.memref_slice %arg3[%add3A_4] : memref<98304xi32, #tpu.memory_space<hbm>> -> memref<1024xi32, #tpu.memory_space<hbm>>
      tpu.wait_dma2 semaphore(%run_scoped3A : memref<!tpu.dma_semaphore, #tpu.memory_space<semaphore_mem>>) src(%dma_wait3A_65 : memref<1024xi32, #tpu.memory_space<hbm>>) dst(%dma_wait3A_64 : memref<1024xi32, #tpu.memory_space<vmem>>)
      tpu.yield
    }) : () -> ()
    %add3A_5 = arith.constant 0 : i32
    %add3A_6 = arith.addi %add3A_5, %multiple_of3A : i32
    "tpu.region"() ({
      %run_scoped3A = tpu.sem_alloc : memref<!tpu.dma_semaphore, #tpu.memory_space<semaphore_mem>>
      %dma_start3A_54 = arith.constant 0 : i32
      %dma_start3A_55 = tpu.memref_slice %arg7[%dma_start3A_54] : memref<3072xf32, #tpu.memory_space<vmem>> -> memref<1024xf32, #tpu.memory_space<vmem>>
      %dma_start3A_56 = tpu.memref_slice %arg4[%add3A_6] : memref<98304xf32, #tpu.memory_space<hbm>> -> memref<1024xf32, #tpu.memory_space<hbm>>
      %dma_start3A_57 = arith.constant 0 : i32
      %dma_start3A_58 = tpu.memref_slice %arg7[%dma_start3A_57] : memref<3072xf32, #tpu.memory_space<vmem>> -> memref<1024xf32, #tpu.memory_space<vmem>>
      %dma_start3A_59 = tpu.memref_slice %arg4[%add3A_6] : memref<98304xf32, #tpu.memory_space<hbm>> -> memref<1024xf32, #tpu.memory_space<hbm>>
      tpu.enqueue_dma source(%dma_start3A_59 : memref<1024xf32, #tpu.memory_space<hbm>>) target(%dma_start3A_58 : memref<1024xf32, #tpu.memory_space<vmem>>) target_semaphore(%run_scoped3A : memref<!tpu.dma_semaphore, #tpu.memory_space<semaphore_mem>>)
      %dma_wait3A_60 = arith.constant 0 : i32
      %dma_wait3A_61 = tpu.memref_slice %arg7[%dma_wait3A_60] : memref<3072xf32, #tpu.memory_space<vmem>> -> memref<1024xf32, #tpu.memory_space<vmem>>
      %dma_wait3A_62 = tpu.memref_slice %arg4[%add3A_6] : memref<98304xf32, #tpu.memory_space<hbm>> -> memref<1024xf32, #tpu.memory_space<hbm>>
      %dma_wait3A_63 = arith.constant 0 : i32
      %dma_wait3A_64 = tpu.memref_slice %arg7[%dma_wait3A_63] : memref<3072xf32, #tpu.memory_space<vmem>> -> memref<1024xf32, #tpu.memory_space<vmem>>
      %dma_wait3A_65 = tpu.memref_slice %arg4[%add3A_6] : memref<98304xf32, #tpu.memory_space<hbm>> -> memref<1024xf32, #tpu.memory_space<hbm>>
      tpu.wait_dma2 semaphore(%run_scoped3A : memref<!tpu.dma_semaphore, #tpu.memory_space<semaphore_mem>>) src(%dma_wait3A_65 : memref<1024xf32, #tpu.memory_space<hbm>>) dst(%dma_wait3A_64 : memref<1024xf32, #tpu.memory_space<vmem>>)
      tpu.yield
    }) : () -> ()
    %add3A_7 = arith.constant 32768 : i32
    %add3A_8 = arith.addi %add3A_7, %multiple_of3A : i32
    "tpu.region"() ({
      %run_scoped3A = tpu.sem_alloc : memref<!tpu.dma_semaphore, #tpu.memory_space<semaphore_mem>>
      %dma_start3A_54 = arith.constant 1024 : i32
      %dma_start3A_55 = tpu.memref_slice %arg6[%dma_start3A_54] : memref<3072xi32, #tpu.memory_space<vmem>> -> memref<1024xi32, #tpu.memory_space<vmem>>
      %dma_start3A_56 = tpu.memref_slice %arg3[%add3A_8] : memref<98304xi32, #tpu.memory_space<hbm>> -> memref<1024xi32, #tpu.memory_space<hbm>>
      %dma_start3A_57 = arith.constant 1024 : i32
      %dma_start3A_58 = tpu.memref_slice %arg6[%dma_start3A_57] : memref<3072xi32, #tpu.memory_space<vmem>> -> memref<1024xi32, #tpu.memory_space<vmem>>
      %dma_start3A_59 = tpu.memref_slice %arg3[%add3A_8] : memref<98304xi32, #tpu.memory_space<hbm>> -> memref<1024xi32, #tpu.memory_space<hbm>>
      tpu.enqueue_dma source(%dma_start3A_59 : memref<1024xi32, #tpu.memory_space<hbm>>) target(%dma_start3A_58 : memref<1024xi32, #tpu.memory_space<vmem>>) target_semaphore(%run_scoped3A : memref<!tpu.dma_semaphore, #tpu.memory_space<semaphore_mem>>)
      %dma_wait3A_60 = arith.constant 1024 : i32
      %dma_wait3A_61 = tpu.memref_slice %arg6[%dma_wait3A_60] : memref<3072xi32, #tpu.memory_space<vmem>> -> memref<1024xi32, #tpu.memory_space<vmem>>
      %dma_wait3A_62 = tpu.memref_slice %arg3[%add3A_8] : memref<98304xi32, #tpu.memory_space<hbm>> -> memref<1024xi32, #tpu.memory_space<hbm>>
      %dma_wait3A_63 = arith.constant 1024 : i32
      %dma_wait3A_64 = tpu.memref_slice %arg6[%dma_wait3A_63] : memref<3072xi32, #tpu.memory_space<vmem>> -> memref<1024xi32, #tpu.memory_space<vmem>>
      %dma_wait3A_65 = tpu.memref_slice %arg3[%add3A_8] : memref<98304xi32, #tpu.memory_space<hbm>> -> memref<1024xi32, #tpu.memory_space<hbm>>
      tpu.wait_dma2 semaphore(%run_scoped3A : memref<!tpu.dma_semaphore, #tpu.memory_space<semaphore_mem>>) src(%dma_wait3A_65 : memref<1024xi32, #tpu.memory_space<hbm>>) dst(%dma_wait3A_64 : memref<1024xi32, #tpu.memory_space<vmem>>)
      tpu.yield
    }) : () -> ()
    %add3A_9 = arith.constant 32768 : i32
    %add3A_10 = arith.addi %add3A_9, %multiple_of3A : i32
    "tpu.region"() ({
      %run_scoped3A = tpu.sem_alloc : memref<!tpu.dma_semaphore, #tpu.memory_space<semaphore_mem>>
      %dma_start3A_54 = arith.constant 1024 : i32
      %dma_start3A_55 = tpu.memref_slice %arg7[%dma_start3A_54] : memref<3072xf32, #tpu.memory_space<vmem>> -> memref<1024xf32, #tpu.memory_space<vmem>>
      %dma_start3A_56 = tpu.memref_slice %arg4[%add3A_10] : memref<98304xf32, #tpu.memory_space<hbm>> -> memref<1024xf32, #tpu.memory_space<hbm>>
      %dma_start3A_57 = arith.constant 1024 : i32
      %dma_start3A_58 = tpu.memref_slice %arg7[%dma_start3A_57] : memref<3072xf32, #tpu.memory_space<vmem>> -> memref<1024xf32, #tpu.memory_space<vmem>>
      %dma_start3A_59 = tpu.memref_slice %arg4[%add3A_10] : memref<98304xf32, #tpu.memory_space<hbm>> -> memref<1024xf32, #tpu.memory_space<hbm>>
      tpu.enqueue_dma source(%dma_start3A_59 : memref<1024xf32, #tpu.memory_space<hbm>>) target(%dma_start3A_58 : memref<1024xf32, #tpu.memory_space<vmem>>) target_semaphore(%run_scoped3A : memref<!tpu.dma_semaphore, #tpu.memory_space<semaphore_mem>>)
      %dma_wait3A_60 = arith.constant 1024 : i32
      %dma_wait3A_61 = tpu.memref_slice %arg7[%dma_wait3A_60] : memref<3072xf32, #tpu.memory_space<vmem>> -> memref<1024xf32, #tpu.memory_space<vmem>>
      %dma_wait3A_62 = tpu.memref_slice %arg4[%add3A_10] : memref<98304xf32, #tpu.memory_space<hbm>> -> memref<1024xf32, #tpu.memory_space<hbm>>
      %dma_wait3A_63 = arith.constant 1024 : i32
      %dma_wait3A_64 = tpu.memref_slice %arg7[%dma_wait3A_63] : memref<3072xf32, #tpu.memory_space<vmem>> -> memref<1024xf32, #tpu.memory_space<vmem>>
      %dma_wait3A_65 = tpu.memref_slice %arg4[%add3A_10] : memref<98304xf32, #tpu.memory_space<hbm>> -> memref<1024xf32, #tpu.memory_space<hbm>>
      tpu.wait_dma2 semaphore(%run_scoped3A : memref<!tpu.dma_semaphore, #tpu.memory_space<semaphore_mem>>) src(%dma_wait3A_65 : memref<1024xf32, #tpu.memory_space<hbm>>) dst(%dma_wait3A_64 : memref<1024xf32, #tpu.memory_space<vmem>>)
      tpu.yield
    }) : () -> ()
    %add3A_11 = arith.constant 65536 : i32
    %add3A_12 = arith.addi %add3A_11, %multiple_of3A : i32
    "tpu.region"() ({
      %run_scoped3A = tpu.sem_alloc : memref<!tpu.dma_semaphore, #tpu.memory_space<semaphore_mem>>
      %dma_start3A_54 = arith.constant 2048 : i32
      %dma_start3A_55 = tpu.memref_slice %arg6[%dma_start3A_54] : memref<3072xi32, #tpu.memory_space<vmem>> -> memref<1024xi32, #tpu.memory_space<vmem>>
      %dma_start3A_56 = tpu.memref_slice %arg3[%add3A_12] : memref<98304xi32, #tpu.memory_space<hbm>> -> memref<1024xi32, #tpu.memory_space<hbm>>
      %dma_start3A_57 = arith.constant 2048 : i32
      %dma_start3A_58 = tpu.memref_slice %arg6[%dma_start3A_57] : memref<3072xi32, #tpu.memory_space<vmem>> -> memref<1024xi32, #tpu.memory_space<vmem>>
      %dma_start3A_59 = tpu.memref_slice %arg3[%add3A_12] : memref<98304xi32, #tpu.memory_space<hbm>> -> memref<1024xi32, #tpu.memory_space<hbm>>
      tpu.enqueue_dma source(%dma_start3A_59 : memref<1024xi32, #tpu.memory_space<hbm>>) target(%dma_start3A_58 : memref<1024xi32, #tpu.memory_space<vmem>>) target_semaphore(%run_scoped3A : memref<!tpu.dma_semaphore, #tpu.memory_space<semaphore_mem>>)
      %dma_wait3A_60 = arith.constant 2048 : i32
      %dma_wait3A_61 = tpu.memref_slice %arg6[%dma_wait3A_60] : memref<3072xi32, #tpu.memory_space<vmem>> -> memref<1024xi32, #tpu.memory_space<vmem>>
      %dma_wait3A_62 = tpu.memref_slice %arg3[%add3A_12] : memref<98304xi32, #tpu.memory_space<hbm>> -> memref<1024xi32, #tpu.memory_space<hbm>>
      %dma_wait3A_63 = arith.constant 2048 : i32
      %dma_wait3A_64 = tpu.memref_slice %arg6[%dma_wait3A_63] : memref<3072xi32, #tpu.memory_space<vmem>> -> memref<1024xi32, #tpu.memory_space<vmem>>
      %dma_wait3A_65 = tpu.memref_slice %arg3[%add3A_12] : memref<98304xi32, #tpu.memory_space<hbm>> -> memref<1024xi32, #tpu.memory_space<hbm>>
      tpu.wait_dma2 semaphore(%run_scoped3A : memref<!tpu.dma_semaphore, #tpu.memory_space<semaphore_mem>>) src(%dma_wait3A_65 : memref<1024xi32, #tpu.memory_space<hbm>>) dst(%dma_wait3A_64 : memref<1024xi32, #tpu.memory_space<vmem>>)
      tpu.yield
    }) : () -> ()
    %add3A_13 = arith.constant 65536 : i32
    %add3A_14 = arith.addi %add3A_13, %multiple_of3A : i32
    "tpu.region"() ({
      %run_scoped3A = tpu.sem_alloc : memref<!tpu.dma_semaphore, #tpu.memory_space<semaphore_mem>>
      %dma_start3A_54 = arith.constant 2048 : i32
      %dma_start3A_55 = tpu.memref_slice %arg7[%dma_start3A_54] : memref<3072xf32, #tpu.memory_space<vmem>> -> memref<1024xf32, #tpu.memory_space<vmem>>
      %dma_start3A_56 = tpu.memref_slice %arg4[%add3A_14] : memref<98304xf32, #tpu.memory_space<hbm>> -> memref<1024xf32, #tpu.memory_space<hbm>>
      %dma_start3A_57 = arith.constant 2048 : i32
      %dma_start3A_58 = tpu.memref_slice %arg7[%dma_start3A_57] : memref<3072xf32, #tpu.memory_space<vmem>> -> memref<1024xf32, #tpu.memory_space<vmem>>
      %dma_start3A_59 = tpu.memref_slice %arg4[%add3A_14] : memref<98304xf32, #tpu.memory_space<hbm>> -> memref<1024xf32, #tpu.memory_space<hbm>>
      tpu.enqueue_dma source(%dma_start3A_59 : memref<1024xf32, #tpu.memory_space<hbm>>) target(%dma_start3A_58 : memref<1024xf32, #tpu.memory_space<vmem>>) target_semaphore(%run_scoped3A : memref<!tpu.dma_semaphore, #tpu.memory_space<semaphore_mem>>)
      %dma_wait3A_60 = arith.constant 2048 : i32
      %dma_wait3A_61 = tpu.memref_slice %arg7[%dma_wait3A_60] : memref<3072xf32, #tpu.memory_space<vmem>> -> memref<1024xf32, #tpu.memory_space<vmem>>
      %dma_wait3A_62 = tpu.memref_slice %arg4[%add3A_14] : memref<98304xf32, #tpu.memory_space<hbm>> -> memref<1024xf32, #tpu.memory_space<hbm>>
      %dma_wait3A_63 = arith.constant 2048 : i32
      %dma_wait3A_64 = tpu.memref_slice %arg7[%dma_wait3A_63] : memref<3072xf32, #tpu.memory_space<vmem>> -> memref<1024xf32, #tpu.memory_space<vmem>>
      %dma_wait3A_65 = tpu.memref_slice %arg4[%add3A_14] : memref<98304xf32, #tpu.memory_space<hbm>> -> memref<1024xf32, #tpu.memory_space<hbm>>
      tpu.wait_dma2 semaphore(%run_scoped3A : memref<!tpu.dma_semaphore, #tpu.memory_space<semaphore_mem>>) src(%dma_wait3A_65 : memref<1024xf32, #tpu.memory_space<hbm>>) dst(%dma_wait3A_64 : memref<1024xf32, #tpu.memory_space<vmem>>)
      tpu.yield
    }) : () -> ()
    %multiple_of3A_15 = arith.constant 0 : i32
    %multiple_of3A_16 = tpu.assume_multiple %multiple_of3A_15, 16 : i32
    %add3A_17 = arith.constant 0 : i32
    %add3A_18 = arith.addi %add3A_17, %multiple_of3A_16 : i32
    %dma_start3A = arith.constant 0 : i32
    %dma_start3A_19 = arith.constant 0 : i32
    %dma_start3A_20 = tpu.memref_slice %arg8[%dma_start3A, %dma_start3A_19] : memref<48x256xf32, #tpu.memory_space<vmem>> -> memref<16x256xf32, #tpu.memory_space<vmem>>
    %dma_start3A_21 = tpu.memref_slice %arg6[%add3A_18] : memref<3072xi32, #tpu.memory_space<vmem>> -> memref<16xi32, #tpu.memory_space<vmem>>
    %dma_start3A_22 = arith.constant 0 : i32
    %dma_start3A_23 = arith.constant 0 : i32
    %dma_start3A_24 = tpu.memref_slice %arg2[%dma_start3A_22, %dma_start3A_23] : memref<32768x256xf32, #tpu.memory_space<hbm>> -> memref<32768x256xf32, #tpu.memory_space<hbm>>
    tpu.enqueue_indirect_dma source(%dma_start3A_24 : memref<32768x256xf32, #tpu.memory_space<hbm>>) target(%dma_start3A_20 : memref<16x256xf32, #tpu.memory_space<vmem>>) offsets(%dma_start3A_21 : memref<16xi32, #tpu.memory_space<vmem>>) semaphore(%arg12 : memref<!tpu.dma_semaphore, #tpu.memory_space<semaphore_mem>>)
    %add3A_25 = arith.constant 1024 : i32
    %add3A_26 = arith.addi %add3A_25, %multiple_of3A_16 : i32
    %dma_start3A_27 = arith.constant 16 : i32
    %dma_start3A_28 = arith.constant 0 : i32
    %dma_start3A_29 = tpu.memref_slice %arg8[%dma_start3A_27, %dma_start3A_28] : memref<48x256xf32, #tpu.memory_space<vmem>> -> memref<16x256xf32, #tpu.memory_space<vmem>>
    %dma_start3A_30 = tpu.memref_slice %arg6[%add3A_26] : memref<3072xi32, #tpu.memory_space<vmem>> -> memref<16xi32, #tpu.memory_space<vmem>>
    %dma_start3A_31 = arith.constant 0 : i32
    %dma_start3A_32 = arith.constant 0 : i32
    %dma_start3A_33 = tpu.memref_slice %arg2[%dma_start3A_31, %dma_start3A_32] : memref<32768x256xf32, #tpu.memory_space<hbm>> -> memref<32768x256xf32, #tpu.memory_space<hbm>>
    tpu.enqueue_indirect_dma source(%dma_start3A_33 : memref<32768x256xf32, #tpu.memory_space<hbm>>) target(%dma_start3A_29 : memref<16x256xf32, #tpu.memory_space<vmem>>) offsets(%dma_start3A_30 : memref<16xi32, #tpu.memory_space<vmem>>) semaphore(%arg12 : memref<!tpu.dma_semaphore, #tpu.memory_space<semaphore_mem>>)
    %add3A_34 = arith.constant 2048 : i32
    %add3A_35 = arith.addi %add3A_34, %multiple_of3A_16 : i32
    %dma_start3A_36 = arith.constant 32 : i32
    %dma_start3A_37 = arith.constant 0 : i32
    %dma_start3A_38 = tpu.memref_slice %arg8[%dma_start3A_36, %dma_start3A_37] : memref<48x256xf32, #tpu.memory_space<vmem>> -> memref<16x256xf32, #tpu.memory_space<vmem>>
    %dma_start3A_39 = tpu.memref_slice %arg6[%add3A_35] : memref<3072xi32, #tpu.memory_space<vmem>> -> memref<16xi32, #tpu.memory_space<vmem>>
    %dma_start3A_40 = arith.constant 0 : i32
    %dma_start3A_41 = arith.constant 0 : i32
    %dma_start3A_42 = tpu.memref_slice %arg2[%dma_start3A_40, %dma_start3A_41] : memref<32768x256xf32, #tpu.memory_space<hbm>> -> memref<32768x256xf32, #tpu.memory_space<hbm>>
    tpu.enqueue_indirect_dma source(%dma_start3A_42 : memref<32768x256xf32, #tpu.memory_space<hbm>>) target(%dma_start3A_38 : memref<16x256xf32, #tpu.memory_space<vmem>>) offsets(%dma_start3A_39 : memref<16xi32, #tpu.memory_space<vmem>>) semaphore(%arg12 : memref<!tpu.dma_semaphore, #tpu.memory_space<semaphore_mem>>)
    %scan3A = arith.constant 0 : i32
    %scan3A_43 = arith.constant 32 : i32
    %scan3A_44 = arith.addi %scan3A, %scan3A_43 : i32
    %scan3A_45 = arith.constant 1 : i32
    scf.for %scan3A_54 = %scan3A to %scan3A_44 step %scan3A_45  : i32 {
      %mul3A_55 = arith.constant 2 : i32
      %mul3A_56 = arith.muli %scan3A_54, %mul3A_55 : i32
      %add3A_57 = arith.constant 0 : i32
      %add3A_58 = arith.addi %add3A_57, %mul3A_56 : i32
      %dma_wait3A_59 = arith.constant 0 : i32
      %dma_wait3A_60 = arith.constant 0 : i32
      %dma_wait3A_61 = tpu.memref_slice %arg2[%dma_wait3A_59, %dma_wait3A_60] : memref<32768x256xf32, #tpu.memory_space<hbm>> -> memref<48x256xf32, #tpu.memory_space<hbm>>
      %dma_wait3A_62 = arith.constant 0 : i32
      %dma_wait3A_63 = arith.constant 0 : i32
      %dma_wait3A_64 = tpu.memref_slice %arg2[%dma_wait3A_62, %dma_wait3A_63] : memref<32768x256xf32, #tpu.memory_space<hbm>> -> memref<48x256xf32, #tpu.memory_space<hbm>>
      tpu.wait_dma2 semaphore(%arg12 : memref<!tpu.dma_semaphore, #tpu.memory_space<semaphore_mem>>) src(%dma_wait3A_64 : memref<48x256xf32, #tpu.memory_space<hbm>>) dst(%arg8 : memref<48x256xf32, #tpu.memory_space<vmem>>)
      %add3A_65 = arith.constant 1 : i32
      %add3A_66 = arith.addi %add3A_58, %add3A_65 : i32
      %mul3A_67 = arith.constant 16 : i32
      %mul3A_68 = arith.muli %add3A_66, %mul3A_67 : i32
      %multiple_of3A_69 = tpu.assume_multiple %mul3A_68, 16 : i32
      %add3A_70 = arith.constant 0 : i32
      %add3A_71 = arith.addi %add3A_70, %multiple_of3A_69 : i32
      %dma_start3A_72 = arith.constant 0 : i32
      %dma_start3A_73 = arith.constant 0 : i32
      %dma_start3A_74 = tpu.memref_slice %arg9[%dma_start3A_72, %dma_start3A_73] : memref<48x256xf32, #tpu.memory_space<vmem>> -> memref<16x256xf32, #tpu.memory_space<vmem>>
      %dma_start3A_75 = tpu.memref_slice %arg6[%add3A_71] : memref<3072xi32, #tpu.memory_space<vmem>> -> memref<16xi32, #tpu.memory_space<vmem>>
      %dma_start3A_76 = arith.constant 0 : i32
      %dma_start3A_77 = arith.constant 0 : i32
      %dma_start3A_78 = tpu.memref_slice %arg2[%dma_start3A_76, %dma_start3A_77] : memref<32768x256xf32, #tpu.memory_space<hbm>> -> memref<32768x256xf32, #tpu.memory_space<hbm>>
      tpu.enqueue_indirect_dma source(%dma_start3A_78 : memref<32768x256xf32, #tpu.memory_space<hbm>>) target(%dma_start3A_74 : memref<16x256xf32, #tpu.memory_space<vmem>>) offsets(%dma_start3A_75 : memref<16xi32, #tpu.memory_space<vmem>>) semaphore(%arg13 : memref<!tpu.dma_semaphore, #tpu.memory_space<semaphore_mem>>)
      %add3A_79 = arith.constant 1024 : i32
      %add3A_80 = arith.addi %add3A_79, %multiple_of3A_69 : i32
      %dma_start3A_81 = arith.constant 16 : i32
      %dma_start3A_82 = arith.constant 0 : i32
      %dma_start3A_83 = tpu.memref_slice %arg9[%dma_start3A_81, %dma_start3A_82] : memref<48x256xf32, #tpu.memory_space<vmem>> -> memref<16x256xf32, #tpu.memory_space<vmem>>
      %dma_start3A_84 = tpu.memref_slice %arg6[%add3A_80] : memref<3072xi32, #tpu.memory_space<vmem>> -> memref<16xi32, #tpu.memory_space<vmem>>
      %dma_start3A_85 = arith.constant 0 : i32
      %dma_start3A_86 = arith.constant 0 : i32
      %dma_start3A_87 = tpu.memref_slice %arg2[%dma_start3A_85, %dma_start3A_86] : memref<32768x256xf32, #tpu.memory_space<hbm>> -> memref<32768x256xf32, #tpu.memory_space<hbm>>
      tpu.enqueue_indirect_dma source(%dma_start3A_87 : memref<32768x256xf32, #tpu.memory_space<hbm>>) target(%dma_start3A_83 : memref<16x256xf32, #tpu.memory_space<vmem>>) offsets(%dma_start3A_84 : memref<16xi32, #tpu.memory_space<vmem>>) semaphore(%arg13 : memref<!tpu.dma_semaphore, #tpu.memory_space<semaphore_mem>>)
      %add3A_88 = arith.constant 2048 : i32
      %add3A_89 = arith.addi %add3A_88, %multiple_of3A_69 : i32
      %dma_start3A_90 = arith.constant 32 : i32
      %dma_start3A_91 = arith.constant 0 : i32
      %dma_start3A_92 = tpu.memref_slice %arg9[%dma_start3A_90, %dma_start3A_91] : memref<48x256xf32, #tpu.memory_space<vmem>> -> memref<16x256xf32, #tpu.memory_space<vmem>>
      %dma_start3A_93 = tpu.memref_slice %arg6[%add3A_89] : memref<3072xi32, #tpu.memory_space<vmem>> -> memref<16xi32, #tpu.memory_space<vmem>>
      %dma_start3A_94 = arith.constant 0 : i32
      %dma_start3A_95 = arith.constant 0 : i32
      %dma_start3A_96 = tpu.memref_slice %arg2[%dma_start3A_94, %dma_start3A_95] : memref<32768x256xf32, #tpu.memory_space<hbm>> -> memref<32768x256xf32, #tpu.memory_space<hbm>>
      tpu.enqueue_indirect_dma source(%dma_start3A_96 : memref<32768x256xf32, #tpu.memory_space<hbm>>) target(%dma_start3A_92 : memref<16x256xf32, #tpu.memory_space<vmem>>) offsets(%dma_start3A_93 : memref<16xi32, #tpu.memory_space<vmem>>) semaphore(%arg13 : memref<!tpu.dma_semaphore, #tpu.memory_space<semaphore_mem>>)
      %ge3A = arith.constant 2 : i32
      %ge3A_97 = arith.cmpi sge, %add3A_58, %ge3A : i32
      %convert_element_type3A = arith.extui %ge3A_97 : i1 to i32
      %cond3A = arith.constant 0 : i32
      %cond3A_98 = arith.cmpi ne, %convert_element_type3A, %cond3A : i32
      scf.if %cond3A_98 {
        %dma_wait3A_181 = arith.constant 0 : i32
        %dma_wait3A_182 = tpu.memref_slice %arg5[%multiple_of3A, %dma_wait3A_181] : memref<32768x256xf32, #tpu.memory_space<hbm>> -> memref<16x256xf32, #tpu.memory_space<hbm>>
        %dma_wait3A_183 = arith.constant 0 : i32
        %dma_wait3A_184 = tpu.memref_slice %arg5[%multiple_of3A, %dma_wait3A_183] : memref<32768x256xf32, #tpu.memory_space<hbm>> -> memref<16x256xf32, #tpu.memory_space<hbm>>
        tpu.wait_dma2 semaphore(%arg14 : memref<!tpu.dma_semaphore, #tpu.memory_space<semaphore_mem>>) src(%arg10 : memref<16x256xf32, #tpu.memory_space<vmem>>) dst(%dma_wait3A_184 : memref<16x256xf32, #tpu.memory_space<hbm>>)
      } else {
      }
      %mul3A_99 = arith.constant 16 : i32
      %mul3A_100 = arith.muli %add3A_58, %mul3A_99 : i32
      %multiple_of3A_101 = tpu.assume_multiple %mul3A_100, 16 : i32
      %add3A_102 = arith.constant 0 : i32
      %add3A_103 = arith.addi %add3A_102, %multiple_of3A_101 : i32
      %get3A = arith.index_cast %add3A_103 : i32 to index
      %get3A_104 = tpu.vector_load %arg7[%get3A] {strides = array<i32>} : memref<3072xf32, #tpu.memory_space<vmem>>, vector<16xf32>,
      %get3A_105 = vector.shape_cast %get3A_104 : vector<16xf32> to vector<16xf32>
      %add3A_106 = arith.constant 1024 : i32
      %add3A_107 = arith.addi %add3A_106, %multiple_of3A_101 : i32
      %get3A_108 = arith.index_cast %add3A_107 : i32 to index
      %get3A_109 = tpu.vector_load %arg7[%get3A_108] {strides = array<i32>} : memref<3072xf32, #tpu.memory_space<vmem>>, vector<16xf32>,
      %get3A_110 = vector.shape_cast %get3A_109 : vector<16xf32> to vector<16xf32>
      %add3A_111 = arith.constant 2048 : i32
      %add3A_112 = arith.addi %add3A_111, %multiple_of3A_101 : i32
      %get3A_113 = arith.index_cast %add3A_112 : i32 to index
      %get3A_114 = tpu.vector_load %arg7[%get3A_113] {strides = array<i32>} : memref<3072xf32, #tpu.memory_space<vmem>>, vector<16xf32>,
      %get3A_115 = vector.shape_cast %get3A_114 : vector<16xf32> to vector<16xf32>
      %scan3A_116 = arith.constant 0 : i32
      %scan3A_117 = arith.constant 16 : i32
      %scan3A_118 = arith.addi %scan3A_116, %scan3A_117 : i32
      %scan3A_119 = arith.constant 1 : i32
      scf.for %scan3A_181 = %scan3A_116 to %scan3A_118 step %scan3A_119  : i32 {
        %mul3A_182 = arith.constant 1 : i32
        %mul3A_183 = arith.muli %scan3A_181, %mul3A_182 : i32
        %add3A_184 = arith.constant 0 : i32
        %add3A_185 = arith.addi %add3A_184, %mul3A_183 : i32
        %broadcast_in_dim3A = vector.broadcast %add3A_185 : i32 to vector<16x1xi32>
        %gather3A = vector.shape_cast %broadcast_in_dim3A : vector<16x1xi32> to vector<16xi32>
        %gather3A_186 = tpu.dynamic_gather %get3A_105[%gather3A] in [0] : vector<16xf32>, vector<16xi32> -> vector<16xf32>
        %gather3A_187 = vector.shape_cast %broadcast_in_dim3A : vector<16x1xi32> to vector<16xi32>
        %gather3A_188 = tpu.dynamic_gather %get3A_110[%gather3A_187] in [0] : vector<16xf32>, vector<16xi32> -> vector<16xf32>
        %gather3A_189 = vector.shape_cast %broadcast_in_dim3A : vector<16x1xi32> to vector<16xi32>
        %gather3A_190 = tpu.dynamic_gather %get3A_115[%gather3A_189] in [0] : vector<16xf32>, vector<16xi32> -> vector<16xf32>
        %get3A_191 = arith.index_cast %add3A_185 : i32 to index
        %get3A_192 = arith.constant 0 : index
        %get3A_193 = tpu.vector_load %arg8[%get3A_191, %get3A_192] {strides = array<i32>} : memref<48x256xf32, #tpu.memory_space<vmem>>, vector<1x16xf32>,
        %get3A_194 = vector.shape_cast %get3A_193 : vector<1x16xf32> to vector<16xf32>
        %add3A_195 = arith.constant 16 : i32
        %add3A_196 = arith.addi %add3A_195, %add3A_185 : i32
        %get3A_197 = arith.index_cast %add3A_196 : i32 to index
        %get3A_198 = arith.constant 0 : index
        %get3A_199 = tpu.vector_load %arg8[%get3A_197, %get3A_198] {strides = array<i32>} : memref<48x256xf32, #tpu.memory_space<vmem>>, vector<1x16xf32>,
        %get3A_200 = vector.shape_cast %get3A_199 : vector<1x16xf32> to vector<16xf32>
        %add3A_201 = arith.constant 32 : i32
        %add3A_202 = arith.addi %add3A_201, %add3A_185 : i32
        %get3A_203 = arith.index_cast %add3A_202 : i32 to index
        %get3A_204 = arith.constant 0 : index
        %get3A_205 = tpu.vector_load %arg8[%get3A_203, %get3A_204] {strides = array<i32>} : memref<48x256xf32, #tpu.memory_space<vmem>>, vector<1x16xf32>,
        %get3A_206 = vector.shape_cast %get3A_205 : vector<1x16xf32> to vector<16xf32>
        %mul3A_207 = arith.mulf %get3A_194, %gather3A_186 : vector<16xf32>
        %mul3A_208 = arith.mulf %get3A_200, %gather3A_188 : vector<16xf32>
        %add3A_209 = arith.addf %mul3A_207, %mul3A_208 : vector<16xf32>
        %mul3A_210 = arith.mulf %get3A_206, %gather3A_190 : vector<16xf32>
        %add3A_211 = arith.addf %add3A_209, %mul3A_210 : vector<16xf32>
        %swap3A = arith.index_cast %add3A_185 : i32 to index
        %swap3A_212 = arith.constant 0 : index
        %swap3A_213 = tpu.vector_load %arg10[%swap3A, %swap3A_212] {strides = array<i32>} : memref<16x256xf32, #tpu.memory_space<vmem>>, vector<1x16xf32>,
        %swap3A_214 = vector.shape_cast %swap3A_213 : vector<1x16xf32> to vector<16xf32>
        %swap3A_215 = vector.shape_cast %add3A_211 : vector<16xf32> to vector<1x16xf32>
        tpu.vector_store %arg10[%swap3A, %swap3A_212], %swap3A_215 {strides = array<i32>} : memref<16x256xf32, #tpu.memory_space<vmem>>, vector<1x16xf32>,
        %get3A_216 = arith.index_cast %add3A_185 : i32 to index
        %get3A_217 = arith.constant 16 : index
        %get3A_218 = tpu.vector_load %arg8[%get3A_216, %get3A_217] {strides = array<i32>} : memref<48x256xf32, #tpu.memory_space<vmem>>, vector<1x16xf32>,
        %get3A_219 = vector.shape_cast %get3A_218 : vector<1x16xf32> to vector<16xf32>
        %add3A_220 = arith.constant 16 : i32
        %add3A_221 = arith.addi %add3A_220, %add3A_185 : i32
        %get3A_222 = arith.index_cast %add3A_221 : i32 to index
        %get3A_223 = arith.constant 16 : index
        %get3A_224 = tpu.vector_load %arg8[%get3A_222, %get3A_223] {strides = array<i32>} : memref<48x256xf32, #tpu.memory_space<vmem>>, vector<1x16xf32>,
        %get3A_225 = vector.shape_cast %get3A_224 : vector<1x16xf32> to vector<16xf32>
        %add3A_226 = arith.constant 32 : i32
        %add3A_227 = arith.addi %add3A_226, %add3A_185 : i32
        %get3A_228 = arith.index_cast %add3A_227 : i32 to index
        %get3A_229 = arith.constant 16 : index
        %get3A_230 = tpu.vector_load %arg8[%get3A_228, %get3A_229] {strides = array<i32>} : memref<48x256xf32, #tpu.memory_space<vmem>>, vector<1x16xf32>,
        %get3A_231 = vector.shape_cast %get3A_230 : vector<1x16xf32> to vector<16xf32>
        %mul3A_232 = arith.mulf %get3A_219, %gather3A_186 : vector<16xf32>
        %mul3A_233 = arith.mulf %get3A_225, %gather3A_188 : vector<16xf32>
        %add3A_234 = arith.addf %mul3A_232, %mul3A_233 : vector<16xf32>
        %mul3A_235 = arith.mulf %get3A_231, %gather3A_190 : vector<16xf32>
        %add3A_236 = arith.addf %add3A_234, %mul3A_235 : vector<16xf32>
        %swap3A_237 = arith.index_cast %add3A_185 : i32 to index
        %swap3A_238 = arith.constant 16 : index
        %swap3A_239 = tpu.vector_load %arg10[%swap3A_237, %swap3A_238] {strides = array<i32>} : memref<16x256xf32, #tpu.memory_space<vmem>>, vector<1x16xf32>,
        %swap3A_240 = vector.shape_cast %swap3A_239 : vector<1x16xf32> to vector<16xf32>
        %swap3A_241 = vector.shape_cast %add3A_236 : vector<16xf32> to vector<1x16xf32>
        tpu.vector_store %arg10[%swap3A_237, %swap3A_238], %swap3A_241 {strides = array<i32>} : memref<16x256xf32, #tpu.memory_space<vmem>>, vector<1x16xf32>,
        %get3A_242 = arith.index_cast %add3A_185 : i32 to index
        %get3A_243 = arith.constant 32 : index
        %get3A_244 = tpu.vector_load %arg8[%get3A_242, %get3A_243] {strides = array<i32>} : memref<48x256xf32, #tpu.memory_space<vmem>>, vector<1x16xf32>,
        %get3A_245 = vector.shape_cast %get3A_244 : vector<1x16xf32> to vector<16xf32>
        %add3A_246 = arith.constant 16 : i32
        %add3A_247 = arith.addi %add3A_246, %add3A_185 : i32
        %get3A_248 = arith.index_cast %add3A_247 : i32 to index
        %get3A_249 = arith.constant 32 : index
        %get3A_250 = tpu.vector_load %arg8[%get3A_248, %get3A_249] {strides = array<i32>} : memref<48x256xf32, #tpu.memory_space<vmem>>, vector<1x16xf32>,
        %get3A_251 = vector.shape_cast %get3A_250 : vector<1x16xf32> to vector<16xf32>
        %add3A_252 = arith.constant 32 : i32
        %add3A_253 = arith.addi %add3A_252, %add3A_185 : i32
        %get3A_254 = arith.index_cast %add3A_253 : i32 to index
        %get3A_255 = arith.constant 32 : index
        %get3A_256 = tpu.vector_load %arg8[%get3A_254, %get3A_255] {strides = array<i32>} : memref<48x256xf32, #tpu.memory_space<vmem>>, vector<1x16xf32>,
        %get3A_257 = vector.shape_cast %get3A_256 : vector<1x16xf32> to vector<16xf32>
        %mul3A_258 = arith.mulf %get3A_245, %gather3A_186 : vector<16xf32>
        %mul3A_259 = arith.mulf %get3A_251, %gather3A_188 : vector<16xf32>
        %add3A_260 = arith.addf %mul3A_258, %mul3A_259 : vector<16xf32>
        %mul3A_261 = arith.mulf %get3A_257, %gather3A_190 : vector<16xf32>
        %add3A_262 = arith.addf %add3A_260, %mul3A_261 : vector<16xf32>
        %swap3A_263 = arith.index_cast %add3A_185 : i32 to index
        %swap3A_264 = arith.constant 32 : index
        %swap3A_265 = tpu.vector_load %arg10[%swap3A_263, %swap3A_264] {strides = array<i32>} : memref<16x256xf32, #tpu.memory_space<vmem>>, vector<1x16xf32>,
        %swap3A_266 = vector.shape_cast %swap3A_265 : vector<1x16xf32> to vector<16xf32>
        %swap3A_267 = vector.shape_cast %add3A_262 : vector<16xf32> to vector<1x16xf32>
        tpu.vector_store %arg10[%swap3A_263, %swap3A_264], %swap3A_267 {strides = array<i32>} : memref<16x256xf32, #tpu.memory_space<vmem>>, vector<1x16xf32>,
        %get3A_268 = arith.index_cast %add3A_185 : i32 to index
        %get3A_269 = arith.constant 48 : index
        %get3A_270 = tpu.vector_load %arg8[%get3A_268, %get3A_269] {strides = array<i32>} : memref<48x256xf32, #tpu.memory_space<vmem>>, vector<1x16xf32>,
        %get3A_271 = vector.shape_cast %get3A_270 : vector<1x16xf32> to vector<16xf32>
        %add3A_272 = arith.constant 16 : i32
        %add3A_273 = arith.addi %add3A_272, %add3A_185 : i32
        %get3A_274 = arith.index_cast %add3A_273 : i32 to index
        %get3A_275 = arith.constant 48 : index
        %get3A_276 = tpu.vector_load %arg8[%get3A_274, %get3A_275] {strides = array<i32>} : memref<48x256xf32, #tpu.memory_space<vmem>>, vector<1x16xf32>,
        %get3A_277 = vector.shape_cast %get3A_276 : vector<1x16xf32> to vector<16xf32>
        %add3A_278 = arith.constant 32 : i32
        %add3A_279 = arith.addi %add3A_278, %add3A_185 : i32
        %get3A_280 = arith.index_cast %add3A_279 : i32 to index
        %get3A_281 = arith.constant 48 : index
        %get3A_282 = tpu.vector_load %arg8[%get3A_280, %get3A_281] {strides = array<i32>} : memref<48x256xf32, #tpu.memory_space<vmem>>, vector<1x16xf32>,
        %get3A_283 = vector.shape_cast %get3A_282 : vector<1x16xf32> to vector<16xf32>
        %mul3A_284 = arith.mulf %get3A_271, %gather3A_186 : vector<16xf32>
        %mul3A_285 = arith.mulf %get3A_277, %gather3A_188 : vector<16xf32>
        %add3A_286 = arith.addf %mul3A_284, %mul3A_285 : vector<16xf32>
        %mul3A_287 = arith.mulf %get3A_283, %gather3A_190 : vector<16xf32>
        %add3A_288 = arith.addf %add3A_286, %mul3A_287 : vector<16xf32>
        %swap3A_289 = arith.index_cast %add3A_185 : i32 to index
        %swap3A_290 = arith.constant 48 : index
        %swap3A_291 = tpu.vector_load %arg10[%swap3A_289, %swap3A_290] {strides = array<i32>} : memref<16x256xf32, #tpu.memory_space<vmem>>, vector<1x16xf32>,
        %swap3A_292 = vector.shape_cast %swap3A_291 : vector<1x16xf32> to vector<16xf32>
        %swap3A_293 = vector.shape_cast %add3A_288 : vector<16xf32> to vector<1x16xf32>
        tpu.vector_store %arg10[%swap3A_289, %swap3A_290], %swap3A_293 {strides = array<i32>} : memref<16x256xf32, #tpu.memory_space<vmem>>, vector<1x16xf32>,
        %get3A_294 = arith.index_cast %add3A_185 : i32 to index
        %get3A_295 = arith.constant 64 : index
        %get3A_296 = tpu.vector_load %arg8[%get3A_294, %get3A_295] {strides = array<i32>} : memref<48x256xf32, #tpu.memory_space<vmem>>, vector<1x16xf32>,
        %get3A_297 = vector.shape_cast %get3A_296 : vector<1x16xf32> to vector<16xf32>
        %add3A_298 = arith.constant 16 : i32
        %add3A_299 = arith.addi %add3A_298, %add3A_185 : i32
        %get3A_300 = arith.index_cast %add3A_299 : i32 to index
        %get3A_301 = arith.constant 64 : index
        %get3A_302 = tpu.vector_load %arg8[%get3A_300, %get3A_301] {strides = array<i32>} : memref<48x256xf32, #tpu.memory_space<vmem>>, vector<1x16xf32>,
        %get3A_303 = vector.shape_cast %get3A_302 : vector<1x16xf32> to vector<16xf32>
        %add3A_304 = arith.constant 32 : i32
        %add3A_305 = arith.addi %add3A_304, %add3A_185 : i32
        %get3A_306 = arith.index_cast %add3A_305 : i32 to index
        %get3A_307 = arith.constant 64 : index
        %get3A_308 = tpu.vector_load %arg8[%get3A_306, %get3A_307] {strides = array<i32>} : memref<48x256xf32, #tpu.memory_space<vmem>>, vector<1x16xf32>,
        %get3A_309 = vector.shape_cast %get3A_308 : vector<1x16xf32> to vector<16xf32>
        %mul3A_310 = arith.mulf %get3A_297, %gather3A_186 : vector<16xf32>
        %mul3A_311 = arith.mulf %get3A_303, %gather3A_188 : vector<16xf32>
        %add3A_312 = arith.addf %mul3A_310, %mul3A_311 : vector<16xf32>
        %mul3A_313 = arith.mulf %get3A_309, %gather3A_190 : vector<16xf32>
        %add3A_314 = arith.addf %add3A_312, %mul3A_313 : vector<16xf32>
        %swap3A_315 = arith.index_cast %add3A_185 : i32 to index
        %swap3A_316 = arith.constant 64 : index
        %swap3A_317 = tpu.vector_load %arg10[%swap3A_315, %swap3A_316] {strides = array<i32>} : memref<16x256xf32, #tpu.memory_space<vmem>>, vector<1x16xf32>,
        %swap3A_318 = vector.shape_cast %swap3A_317 : vector<1x16xf32> to vector<16xf32>
        %swap3A_319 = vector.shape_cast %add3A_314 : vector<16xf32> to vector<1x16xf32>
        tpu.vector_store %arg10[%swap3A_315, %swap3A_316], %swap3A_319 {strides = array<i32>} : memref<16x256xf32, #tpu.memory_space<vmem>>, vector<1x16xf32>,
        %get3A_320 = arith.index_cast %add3A_185 : i32 to index
        %get3A_321 = arith.constant 80 : index
        %get3A_322 = tpu.vector_load %arg8[%get3A_320, %get3A_321] {strides = array<i32>} : memref<48x256xf32, #tpu.memory_space<vmem>>, vector<1x16xf32>,
        %get3A_323 = vector.shape_cast %get3A_322 : vector<1x16xf32> to vector<16xf32>
        %add3A_324 = arith.constant 16 : i32
        %add3A_325 = arith.addi %add3A_324, %add3A_185 : i32
        %get3A_326 = arith.index_cast %add3A_325 : i32 to index
        %get3A_327 = arith.constant 80 : index
        %get3A_328 = tpu.vector_load %arg8[%get3A_326, %get3A_327] {strides = array<i32>} : memref<48x256xf32, #tpu.memory_space<vmem>>, vector<1x16xf32>,
        %get3A_329 = vector.shape_cast %get3A_328 : vector<1x16xf32> to vector<16xf32>
        %add3A_330 = arith.constant 32 : i32
        %add3A_331 = arith.addi %add3A_330, %add3A_185 : i32
        %get3A_332 = arith.index_cast %add3A_331 : i32 to index
        %get3A_333 = arith.constant 80 : index
        %get3A_334 = tpu.vector_load %arg8[%get3A_332, %get3A_333] {strides = array<i32>} : memref<48x256xf32, #tpu.memory_space<vmem>>, vector<1x16xf32>,
        %get3A_335 = vector.shape_cast %get3A_334 : vector<1x16xf32> to vector<16xf32>
        %mul3A_336 = arith.mulf %get3A_323, %gather3A_186 : vector<16xf32>
        %mul3A_337 = arith.mulf %get3A_329, %gather3A_188 : vector<16xf32>
        %add3A_338 = arith.addf %mul3A_336, %mul3A_337 : vector<16xf32>
        %mul3A_339 = arith.mulf %get3A_335, %gather3A_190 : vector<16xf32>
        %add3A_340 = arith.addf %add3A_338, %mul3A_339 : vector<16xf32>
        %swap3A_341 = arith.index_cast %add3A_185 : i32 to index
        %swap3A_342 = arith.constant 80 : index
        %swap3A_343 = tpu.vector_load %arg10[%swap3A_341, %swap3A_342] {strides = array<i32>} : memref<16x256xf32, #tpu.memory_space<vmem>>, vector<1x16xf32>,
        %swap3A_344 = vector.shape_cast %swap3A_343 : vector<1x16xf32> to vector<16xf32>
        %swap3A_345 = vector.shape_cast %add3A_340 : vector<16xf32> to vector<1x16xf32>
        tpu.vector_store %arg10[%swap3A_341, %swap3A_342], %swap3A_345 {strides = array<i32>} : memref<16x256xf32, #tpu.memory_space<vmem>>, vector<1x16xf32>,
        %get3A_346 = arith.index_cast %add3A_185 : i32 to index
        %get3A_347 = arith.constant 96 : index
        %get3A_348 = tpu.vector_load %arg8[%get3A_346, %get3A_347] {strides = array<i32>} : memref<48x256xf32, #tpu.memory_space<vmem>>, vector<1x16xf32>,
        %get3A_349 = vector.shape_cast %get3A_348 : vector<1x16xf32> to vector<16xf32>
        %add3A_350 = arith.constant 16 : i32
        %add3A_351 = arith.addi %add3A_350, %add3A_185 : i32
        %get3A_352 = arith.index_cast %add3A_351 : i32 to index
        %get3A_353 = arith.constant 96 : index
        %get3A_354 = tpu.vector_load %arg8[%get3A_352, %get3A_353] {strides = array<i32>} : memref<48x256xf32, #tpu.memory_space<vmem>>, vector<1x16xf32>,
        %get3A_355 = vector.shape_cast %get3A_354 : vector<1x16xf32> to vector<16xf32>
        %add3A_356 = arith.constant 32 : i32
        %add3A_357 = arith.addi %add3A_356, %add3A_185 : i32
        %get3A_358 = arith.index_cast %add3A_357 : i32 to index
        %get3A_359 = arith.constant 96 : index
        %get3A_360 = tpu.vector_load %arg8[%get3A_358, %get3A_359] {strides = array<i32>} : memref<48x256xf32, #tpu.memory_space<vmem>>, vector<1x16xf32>,
        %get3A_361 = vector.shape_cast %get3A_360 : vector<1x16xf32> to vector<16xf32>
        %mul3A_362 = arith.mulf %get3A_349, %gather3A_186 : vector<16xf32>
        %mul3A_363 = arith.mulf %get3A_355, %gather3A_188 : vector<16xf32>
        %add3A_364 = arith.addf %mul3A_362, %mul3A_363 : vector<16xf32>
        %mul3A_365 = arith.mulf %get3A_361, %gather3A_190 : vector<16xf32>
        %add3A_366 = arith.addf %add3A_364, %mul3A_365 : vector<16xf32>
        %swap3A_367 = arith.index_cast %add3A_185 : i32 to index
        %swap3A_368 = arith.constant 96 : index
        %swap3A_369 = tpu.vector_load %arg10[%swap3A_367, %swap3A_368] {strides = array<i32>} : memref<16x256xf32, #tpu.memory_space<vmem>>, vector<1x16xf32>,
        %swap3A_370 = vector.shape_cast %swap3A_369 : vector<1x16xf32> to vector<16xf32>
        %swap3A_371 = vector.shape_cast %add3A_366 : vector<16xf32> to vector<1x16xf32>
        tpu.vector_store %arg10[%swap3A_367, %swap3A_368], %swap3A_371 {strides = array<i32>} : memref<16x256xf32, #tpu.memory_space<vmem>>, vector<1x16xf32>,
        %get3A_372 = arith.index_cast %add3A_185 : i32 to index
        %get3A_373 = arith.constant 112 : index
        %get3A_374 = tpu.vector_load %arg8[%get3A_372, %get3A_373] {strides = array<i32>} : memref<48x256xf32, #tpu.memory_space<vmem>>, vector<1x16xf32>,
        %get3A_375 = vector.shape_cast %get3A_374 : vector<1x16xf32> to vector<16xf32>
        %add3A_376 = arith.constant 16 : i32
        %add3A_377 = arith.addi %add3A_376, %add3A_185 : i32
        %get3A_378 = arith.index_cast %add3A_377 : i32 to index
        %get3A_379 = arith.constant 112 : index
        %get3A_380 = tpu.vector_load %arg8[%get3A_378, %get3A_379] {strides = array<i32>} : memref<48x256xf32, #tpu.memory_space<vmem>>, vector<1x16xf32>,
        %get3A_381 = vector.shape_cast %get3A_380 : vector<1x16xf32> to vector<16xf32>
        %add3A_382 = arith.constant 32 : i32
        %add3A_383 = arith.addi %add3A_382, %add3A_185 : i32
        %get3A_384 = arith.index_cast %add3A_383 : i32 to index
        %get3A_385 = arith.constant 112 : index
        %get3A_386 = tpu.vector_load %arg8[%get3A_384, %get3A_385] {strides = array<i32>} : memref<48x256xf32, #tpu.memory_space<vmem>>, vector<1x16xf32>,
        %get3A_387 = vector.shape_cast %get3A_386 : vector<1x16xf32> to vector<16xf32>
        %mul3A_388 = arith.mulf %get3A_375, %gather3A_186 : vector<16xf32>
        %mul3A_389 = arith.mulf %get3A_381, %gather3A_188 : vector<16xf32>
        %add3A_390 = arith.addf %mul3A_388, %mul3A_389 : vector<16xf32>
        %mul3A_391 = arith.mulf %get3A_387, %gather3A_190 : vector<16xf32>
        %add3A_392 = arith.addf %add3A_390, %mul3A_391 : vector<16xf32>
        %swap3A_393 = arith.index_cast %add3A_185 : i32 to index
        %swap3A_394 = arith.constant 112 : index
        %swap3A_395 = tpu.vector_load %arg10[%swap3A_393, %swap3A_394] {strides = array<i32>} : memref<16x256xf32, #tpu.memory_space<vmem>>, vector<1x16xf32>,
        %swap3A_396 = vector.shape_cast %swap3A_395 : vector<1x16xf32> to vector<16xf32>
        %swap3A_397 = vector.shape_cast %add3A_392 : vector<16xf32> to vector<1x16xf32>
        tpu.vector_store %arg10[%swap3A_393, %swap3A_394], %swap3A_397 {strides = array<i32>} : memref<16x256xf32, #tpu.memory_space<vmem>>, vector<1x16xf32>,
        %get3A_398 = arith.index_cast %add3A_185 : i32 to index
        %get3A_399 = arith.constant 128 : index
        %get3A_400 = tpu.vector_load %arg8[%get3A_398, %get3A_399] {strides = array<i32>} : memref<48x256xf32, #tpu.memory_space<vmem>>, vector<1x16xf32>,
        %get3A_401 = vector.shape_cast %get3A_400 : vector<1x16xf32> to vector<16xf32>
        %add3A_402 = arith.constant 16 : i32
        %add3A_403 = arith.addi %add3A_402, %add3A_185 : i32
        %get3A_404 = arith.index_cast %add3A_403 : i32 to index
        %get3A_405 = arith.constant 128 : index
        %get3A_406 = tpu.vector_load %arg8[%get3A_404, %get3A_405] {strides = array<i32>} : memref<48x256xf32, #tpu.memory_space<vmem>>, vector<1x16xf32>,
        %get3A_407 = vector.shape_cast %get3A_406 : vector<1x16xf32> to vector<16xf32>
        %add3A_408 = arith.constant 32 : i32
        %add3A_409 = arith.addi %add3A_408, %add3A_185 : i32
        %get3A_410 = arith.index_cast %add3A_409 : i32 to index
        %get3A_411 = arith.constant 128 : index
        %get3A_412 = tpu.vector_load %arg8[%get3A_410, %get3A_411] {strides = array<i32>} : memref<48x256xf32, #tpu.memory_space<vmem>>, vector<1x16xf32>,
        %get3A_413 = vector.shape_cast %get3A_412 : vector<1x16xf32> to vector<16xf32>
        %mul3A_414 = arith.mulf %get3A_401, %gather3A_186 : vector<16xf32>
        %mul3A_415 = arith.mulf %get3A_407, %gather3A_188 : vector<16xf32>
        %add3A_416 = arith.addf %mul3A_414, %mul3A_415 : vector<16xf32>
        %mul3A_417 = arith.mulf %get3A_413, %gather3A_190 : vector<16xf32>
        %add3A_418 = arith.addf %add3A_416, %mul3A_417 : vector<16xf32>
        %swap3A_419 = arith.index_cast %add3A_185 : i32 to index
        %swap3A_420 = arith.constant 128 : index
        %swap3A_421 = tpu.vector_load %arg10[%swap3A_419, %swap3A_420] {strides = array<i32>} : memref<16x256xf32, #tpu.memory_space<vmem>>, vector<1x16xf32>,
        %swap3A_422 = vector.shape_cast %swap3A_421 : vector<1x16xf32> to vector<16xf32>
        %swap3A_423 = vector.shape_cast %add3A_418 : vector<16xf32> to vector<1x16xf32>
        tpu.vector_store %arg10[%swap3A_419, %swap3A_420], %swap3A_423 {strides = array<i32>} : memref<16x256xf32, #tpu.memory_space<vmem>>, vector<1x16xf32>,
        %get3A_424 = arith.index_cast %add3A_185 : i32 to index
        %get3A_425 = arith.constant 144 : index
        %get3A_426 = tpu.vector_load %arg8[%get3A_424, %get3A_425] {strides = array<i32>} : memref<48x256xf32, #tpu.memory_space<vmem>>, vector<1x16xf32>,
        %get3A_427 = vector.shape_cast %get3A_426 : vector<1x16xf32> to vector<16xf32>
        %add3A_428 = arith.constant 16 : i32
        %add3A_429 = arith.addi %add3A_428, %add3A_185 : i32
        %get3A_430 = arith.index_cast %add3A_429 : i32 to index
        %get3A_431 = arith.constant 144 : index
        %get3A_432 = tpu.vector_load %arg8[%get3A_430, %get3A_431] {strides = array<i32>} : memref<48x256xf32, #tpu.memory_space<vmem>>, vector<1x16xf32>,
        %get3A_433 = vector.shape_cast %get3A_432 : vector<1x16xf32> to vector<16xf32>
        %add3A_434 = arith.constant 32 : i32
        %add3A_435 = arith.addi %add3A_434, %add3A_185 : i32
        %get3A_436 = arith.index_cast %add3A_435 : i32 to index
        %get3A_437 = arith.constant 144 : index
        %get3A_438 = tpu.vector_load %arg8[%get3A_436, %get3A_437] {strides = array<i32>} : memref<48x256xf32, #tpu.memory_space<vmem>>, vector<1x16xf32>,
        %get3A_439 = vector.shape_cast %get3A_438 : vector<1x16xf32> to vector<16xf32>
        %mul3A_440 = arith.mulf %get3A_427, %gather3A_186 : vector<16xf32>
        %mul3A_441 = arith.mulf %get3A_433, %gather3A_188 : vector<16xf32>
        %add3A_442 = arith.addf %mul3A_440, %mul3A_441 : vector<16xf32>
        %mul3A_443 = arith.mulf %get3A_439, %gather3A_190 : vector<16xf32>
        %add3A_444 = arith.addf %add3A_442, %mul3A_443 : vector<16xf32>
        %swap3A_445 = arith.index_cast %add3A_185 : i32 to index
        %swap3A_446 = arith.constant 144 : index
        %swap3A_447 = tpu.vector_load %arg10[%swap3A_445, %swap3A_446] {strides = array<i32>} : memref<16x256xf32, #tpu.memory_space<vmem>>, vector<1x16xf32>,
        %swap3A_448 = vector.shape_cast %swap3A_447 : vector<1x16xf32> to vector<16xf32>
        %swap3A_449 = vector.shape_cast %add3A_444 : vector<16xf32> to vector<1x16xf32>
        tpu.vector_store %arg10[%swap3A_445, %swap3A_446], %swap3A_449 {strides = array<i32>} : memref<16x256xf32, #tpu.memory_space<vmem>>, vector<1x16xf32>,
        %get3A_450 = arith.index_cast %add3A_185 : i32 to index
        %get3A_451 = arith.constant 160 : index
        %get3A_452 = tpu.vector_load %arg8[%get3A_450, %get3A_451] {strides = array<i32>} : memref<48x256xf32, #tpu.memory_space<vmem>>, vector<1x16xf32>,
        %get3A_453 = vector.shape_cast %get3A_452 : vector<1x16xf32> to vector<16xf32>
        %add3A_454 = arith.constant 16 : i32
        %add3A_455 = arith.addi %add3A_454, %add3A_185 : i32
        %get3A_456 = arith.index_cast %add3A_455 : i32 to index
        %get3A_457 = arith.constant 160 : index
        %get3A_458 = tpu.vector_load %arg8[%get3A_456, %get3A_457] {strides = array<i32>} : memref<48x256xf32, #tpu.memory_space<vmem>>, vector<1x16xf32>,
        %get3A_459 = vector.shape_cast %get3A_458 : vector<1x16xf32> to vector<16xf32>
        %add3A_460 = arith.constant 32 : i32
        %add3A_461 = arith.addi %add3A_460, %add3A_185 : i32
        %get3A_462 = arith.index_cast %add3A_461 : i32 to index
        %get3A_463 = arith.constant 160 : index
        %get3A_464 = tpu.vector_load %arg8[%get3A_462, %get3A_463] {strides = array<i32>} : memref<48x256xf32, #tpu.memory_space<vmem>>, vector<1x16xf32>,
        %get3A_465 = vector.shape_cast %get3A_464 : vector<1x16xf32> to vector<16xf32>
        %mul3A_466 = arith.mulf %get3A_453, %gather3A_186 : vector<16xf32>
        %mul3A_467 = arith.mulf %get3A_459, %gather3A_188 : vector<16xf32>
        %add3A_468 = arith.addf %mul3A_466, %mul3A_467 : vector<16xf32>
        %mul3A_469 = arith.mulf %get3A_465, %gather3A_190 : vector<16xf32>
        %add3A_470 = arith.addf %add3A_468, %mul3A_469 : vector<16xf32>
        %swap3A_471 = arith.index_cast %add3A_185 : i32 to index
        %swap3A_472 = arith.constant 160 : index
        %swap3A_473 = tpu.vector_load %arg10[%swap3A_471, %swap3A_472] {strides = array<i32>} : memref<16x256xf32, #tpu.memory_space<vmem>>, vector<1x16xf32>,
        %swap3A_474 = vector.shape_cast %swap3A_473 : vector<1x16xf32> to vector<16xf32>
        %swap3A_475 = vector.shape_cast %add3A_470 : vector<16xf32> to vector<1x16xf32>
        tpu.vector_store %arg10[%swap3A_471, %swap3A_472], %swap3A_475 {strides = array<i32>} : memref<16x256xf32, #tpu.memory_space<vmem>>, vector<1x16xf32>,
        %get3A_476 = arith.index_cast %add3A_185 : i32 to index
        %get3A_477 = arith.constant 176 : index
        %get3A_478 = tpu.vector_load %arg8[%get3A_476, %get3A_477] {strides = array<i32>} : memref<48x256xf32, #tpu.memory_space<vmem>>, vector<1x16xf32>,
        %get3A_479 = vector.shape_cast %get3A_478 : vector<1x16xf32> to vector<16xf32>
        %add3A_480 = arith.constant 16 : i32
        %add3A_481 = arith.addi %add3A_480, %add3A_185 : i32
        %get3A_482 = arith.index_cast %add3A_481 : i32 to index
        %get3A_483 = arith.constant 176 : index
        %get3A_484 = tpu.vector_load %arg8[%get3A_482, %get3A_483] {strides = array<i32>} : memref<48x256xf32, #tpu.memory_space<vmem>>, vector<1x16xf32>,
        %get3A_485 = vector.shape_cast %get3A_484 : vector<1x16xf32> to vector<16xf32>
        %add3A_486 = arith.constant 32 : i32
        %add3A_487 = arith.addi %add3A_486, %add3A_185 : i32
        %get3A_488 = arith.index_cast %add3A_487 : i32 to index
        %get3A_489 = arith.constant 176 : index
        %get3A_490 = tpu.vector_load %arg8[%get3A_488, %get3A_489] {strides = array<i32>} : memref<48x256xf32, #tpu.memory_space<vmem>>, vector<1x16xf32>,
        %get3A_491 = vector.shape_cast %get3A_490 : vector<1x16xf32> to vector<16xf32>
        %mul3A_492 = arith.mulf %get3A_479, %gather3A_186 : vector<16xf32>
        %mul3A_493 = arith.mulf %get3A_485, %gather3A_188 : vector<16xf32>
        %add3A_494 = arith.addf %mul3A_492, %mul3A_493 : vector<16xf32>
        %mul3A_495 = arith.mulf %get3A_491, %gather3A_190 : vector<16xf32>
        %add3A_496 = arith.addf %add3A_494, %mul3A_495 : vector<16xf32>
        %swap3A_497 = arith.index_cast %add3A_185 : i32 to index
        %swap3A_498 = arith.constant 176 : index
        %swap3A_499 = tpu.vector_load %arg10[%swap3A_497, %swap3A_498] {strides = array<i32>} : memref<16x256xf32, #tpu.memory_space<vmem>>, vector<1x16xf32>,
        %swap3A_500 = vector.shape_cast %swap3A_499 : vector<1x16xf32> to vector<16xf32>
        %swap3A_501 = vector.shape_cast %add3A_496 : vector<16xf32> to vector<1x16xf32>
        tpu.vector_store %arg10[%swap3A_497, %swap3A_498], %swap3A_501 {strides = array<i32>} : memref<16x256xf32, #tpu.memory_space<vmem>>, vector<1x16xf32>,
        %get3A_502 = arith.index_cast %add3A_185 : i32 to index
        %get3A_503 = arith.constant 192 : index
        %get3A_504 = tpu.vector_load %arg8[%get3A_502, %get3A_503] {strides = array<i32>} : memref<48x256xf32, #tpu.memory_space<vmem>>, vector<1x16xf32>,
        %get3A_505 = vector.shape_cast %get3A_504 : vector<1x16xf32> to vector<16xf32>
        %add3A_506 = arith.constant 16 : i32
        %add3A_507 = arith.addi %add3A_506, %add3A_185 : i32
        %get3A_508 = arith.index_cast %add3A_507 : i32 to index
        %get3A_509 = arith.constant 192 : index
        %get3A_510 = tpu.vector_load %arg8[%get3A_508, %get3A_509] {strides = array<i32>} : memref<48x256xf32, #tpu.memory_space<vmem>>, vector<1x16xf32>,
        %get3A_511 = vector.shape_cast %get3A_510 : vector<1x16xf32> to vector<16xf32>
        %add3A_512 = arith.constant 32 : i32
        %add3A_513 = arith.addi %add3A_512, %add3A_185 : i32
        %get3A_514 = arith.index_cast %add3A_513 : i32 to index
        %get3A_515 = arith.constant 192 : index
        %get3A_516 = tpu.vector_load %arg8[%get3A_514, %get3A_515] {strides = array<i32>} : memref<48x256xf32, #tpu.memory_space<vmem>>, vector<1x16xf32>,
        %get3A_517 = vector.shape_cast %get3A_516 : vector<1x16xf32> to vector<16xf32>
        %mul3A_518 = arith.mulf %get3A_505, %gather3A_186 : vector<16xf32>
        %mul3A_519 = arith.mulf %get3A_511, %gather3A_188 : vector<16xf32>
        %add3A_520 = arith.addf %mul3A_518, %mul3A_519 : vector<16xf32>
        %mul3A_521 = arith.mulf %get3A_517, %gather3A_190 : vector<16xf32>
        %add3A_522 = arith.addf %add3A_520, %mul3A_521 : vector<16xf32>
        %swap3A_523 = arith.index_cast %add3A_185 : i32 to index
        %swap3A_524 = arith.constant 192 : index
        %swap3A_525 = tpu.vector_load %arg10[%swap3A_523, %swap3A_524] {strides = array<i32>} : memref<16x256xf32, #tpu.memory_space<vmem>>, vector<1x16xf32>,
        %swap3A_526 = vector.shape_cast %swap3A_525 : vector<1x16xf32> to vector<16xf32>
        %swap3A_527 = vector.shape_cast %add3A_522 : vector<16xf32> to vector<1x16xf32>
        tpu.vector_store %arg10[%swap3A_523, %swap3A_524], %swap3A_527 {strides = array<i32>} : memref<16x256xf32, #tpu.memory_space<vmem>>, vector<1x16xf32>,
        %get3A_528 = arith.index_cast %add3A_185 : i32 to index
        %get3A_529 = arith.constant 208 : index
        %get3A_530 = tpu.vector_load %arg8[%get3A_528, %get3A_529] {strides = array<i32>} : memref<48x256xf32, #tpu.memory_space<vmem>>, vector<1x16xf32>,
        %get3A_531 = vector.shape_cast %get3A_530 : vector<1x16xf32> to vector<16xf32>
        %add3A_532 = arith.constant 16 : i32
        %add3A_533 = arith.addi %add3A_532, %add3A_185 : i32
        %get3A_534 = arith.index_cast %add3A_533 : i32 to index
        %get3A_535 = arith.constant 208 : index
        %get3A_536 = tpu.vector_load %arg8[%get3A_534, %get3A_535] {strides = array<i32>} : memref<48x256xf32, #tpu.memory_space<vmem>>, vector<1x16xf32>,
        %get3A_537 = vector.shape_cast %get3A_536 : vector<1x16xf32> to vector<16xf32>
        %add3A_538 = arith.constant 32 : i32
        %add3A_539 = arith.addi %add3A_538, %add3A_185 : i32
        %get3A_540 = arith.index_cast %add3A_539 : i32 to index
        %get3A_541 = arith.constant 208 : index
        %get3A_542 = tpu.vector_load %arg8[%get3A_540, %get3A_541] {strides = array<i32>} : memref<48x256xf32, #tpu.memory_space<vmem>>, vector<1x16xf32>,
        %get3A_543 = vector.shape_cast %get3A_542 : vector<1x16xf32> to vector<16xf32>
        %mul3A_544 = arith.mulf %get3A_531, %gather3A_186 : vector<16xf32>
        %mul3A_545 = arith.mulf %get3A_537, %gather3A_188 : vector<16xf32>
        %add3A_546 = arith.addf %mul3A_544, %mul3A_545 : vector<16xf32>
        %mul3A_547 = arith.mulf %get3A_543, %gather3A_190 : vector<16xf32>
        %add3A_548 = arith.addf %add3A_546, %mul3A_547 : vector<16xf32>
        %swap3A_549 = arith.index_cast %add3A_185 : i32 to index
        %swap3A_550 = arith.constant 208 : index
        %swap3A_551 = tpu.vector_load %arg10[%swap3A_549, %swap3A_550] {strides = array<i32>} : memref<16x256xf32, #tpu.memory_space<vmem>>, vector<1x16xf32>,
        %swap3A_552 = vector.shape_cast %swap3A_551 : vector<1x16xf32> to vector<16xf32>
        %swap3A_553 = vector.shape_cast %add3A_548 : vector<16xf32> to vector<1x16xf32>
        tpu.vector_store %arg10[%swap3A_549, %swap3A_550], %swap3A_553 {strides = array<i32>} : memref<16x256xf32, #tpu.memory_space<vmem>>, vector<1x16xf32>,
        %get3A_554 = arith.index_cast %add3A_185 : i32 to index
        %get3A_555 = arith.constant 224 : index
        %get3A_556 = tpu.vector_load %arg8[%get3A_554, %get3A_555] {strides = array<i32>} : memref<48x256xf32, #tpu.memory_space<vmem>>, vector<1x16xf32>,
        %get3A_557 = vector.shape_cast %get3A_556 : vector<1x16xf32> to vector<16xf32>
        %add3A_558 = arith.constant 16 : i32
        %add3A_559 = arith.addi %add3A_558, %add3A_185 : i32
        %get3A_560 = arith.index_cast %add3A_559 : i32 to index
        %get3A_561 = arith.constant 224 : index
        %get3A_562 = tpu.vector_load %arg8[%get3A_560, %get3A_561] {strides = array<i32>} : memref<48x256xf32, #tpu.memory_space<vmem>>, vector<1x16xf32>,
        %get3A_563 = vector.shape_cast %get3A_562 : vector<1x16xf32> to vector<16xf32>
        %add3A_564 = arith.constant 32 : i32
        %add3A_565 = arith.addi %add3A_564, %add3A_185 : i32
        %get3A_566 = arith.index_cast %add3A_565 : i32 to index
        %get3A_567 = arith.constant 224 : index
        %get3A_568 = tpu.vector_load %arg8[%get3A_566, %get3A_567] {strides = array<i32>} : memref<48x256xf32, #tpu.memory_space<vmem>>, vector<1x16xf32>,
        %get3A_569 = vector.shape_cast %get3A_568 : vector<1x16xf32> to vector<16xf32>
        %mul3A_570 = arith.mulf %get3A_557, %gather3A_186 : vector<16xf32>
        %mul3A_571 = arith.mulf %get3A_563, %gather3A_188 : vector<16xf32>
        %add3A_572 = arith.addf %mul3A_570, %mul3A_571 : vector<16xf32>
        %mul3A_573 = arith.mulf %get3A_569, %gather3A_190 : vector<16xf32>
        %add3A_574 = arith.addf %add3A_572, %mul3A_573 : vector<16xf32>
        %swap3A_575 = arith.index_cast %add3A_185 : i32 to index
        %swap3A_576 = arith.constant 224 : index
        %swap3A_577 = tpu.vector_load %arg10[%swap3A_575, %swap3A_576] {strides = array<i32>} : memref<16x256xf32, #tpu.memory_space<vmem>>, vector<1x16xf32>,
        %swap3A_578 = vector.shape_cast %swap3A_577 : vector<1x16xf32> to vector<16xf32>
        %swap3A_579 = vector.shape_cast %add3A_574 : vector<16xf32> to vector<1x16xf32>
        tpu.vector_store %arg10[%swap3A_575, %swap3A_576], %swap3A_579 {strides = array<i32>} : memref<16x256xf32, #tpu.memory_space<vmem>>, vector<1x16xf32>,
        %get3A_580 = arith.index_cast %add3A_185 : i32 to index
        %get3A_581 = arith.constant 240 : index
        %get3A_582 = tpu.vector_load %arg8[%get3A_580, %get3A_581] {strides = array<i32>} : memref<48x256xf32, #tpu.memory_space<vmem>>, vector<1x16xf32>,
        %get3A_583 = vector.shape_cast %get3A_582 : vector<1x16xf32> to vector<16xf32>
        %add3A_584 = arith.constant 16 : i32
        %add3A_585 = arith.addi %add3A_584, %add3A_185 : i32
        %get3A_586 = arith.index_cast %add3A_585 : i32 to index
        %get3A_587 = arith.constant 240 : index
        %get3A_588 = tpu.vector_load %arg8[%get3A_586, %get3A_587] {strides = array<i32>} : memref<48x256xf32, #tpu.memory_space<vmem>>, vector<1x16xf32>,
        %get3A_589 = vector.shape_cast %get3A_588 : vector<1x16xf32> to vector<16xf32>
        %add3A_590 = arith.constant 32 : i32
        %add3A_591 = arith.addi %add3A_590, %add3A_185 : i32
        %get3A_592 = arith.index_cast %add3A_591 : i32 to index
        %get3A_593 = arith.constant 240 : index
        %get3A_594 = tpu.vector_load %arg8[%get3A_592, %get3A_593] {strides = array<i32>} : memref<48x256xf32, #tpu.memory_space<vmem>>, vector<1x16xf32>,
        %get3A_595 = vector.shape_cast %get3A_594 : vector<1x16xf32> to vector<16xf32>
        %mul3A_596 = arith.mulf %get3A_583, %gather3A_186 : vector<16xf32>
        %mul3A_597 = arith.mulf %get3A_589, %gather3A_188 : vector<16xf32>
        %add3A_598 = arith.addf %mul3A_596, %mul3A_597 : vector<16xf32>
        %mul3A_599 = arith.mulf %get3A_595, %gather3A_190 : vector<16xf32>
        %add3A_600 = arith.addf %add3A_598, %mul3A_599 : vector<16xf32>
        %swap3A_601 = arith.index_cast %add3A_185 : i32 to index
        %swap3A_602 = arith.constant 240 : index
        %swap3A_603 = tpu.vector_load %arg10[%swap3A_601, %swap3A_602] {strides = array<i32>} : memref<16x256xf32, #tpu.memory_space<vmem>>, vector<1x16xf32>,
        %swap3A_604 = vector.shape_cast %swap3A_603 : vector<1x16xf32> to vector<16xf32>
        %swap3A_605 = vector.shape_cast %add3A_600 : vector<16xf32> to vector<1x16xf32>
        tpu.vector_store %arg10[%swap3A_601, %swap3A_602], %swap3A_605 {strides = array<i32>} : memref<16x256xf32, #tpu.memory_space<vmem>>, vector<1x16xf32>,
      }
      %scan3A_120 = arith.constant 16 : i32
      %mul3A_121 = arith.constant 16 : i32
      %mul3A_122 = arith.muli %add3A_58, %mul3A_121 : i32
      %multiple_of3A_123 = tpu.assume_multiple %mul3A_122, 16 : i32
      %add3A_124 = arith.addi %multiple_of3A, %multiple_of3A_123 : i32
      %dma_start3A_125 = arith.constant 0 : i32
      %dma_start3A_126 = tpu.memref_slice %arg5[%add3A_124, %dma_start3A_125] : memref<32768x256xf32, #tpu.memory_space<hbm>> -> memref<16x256xf32, #tpu.memory_space<hbm>>
      %dma_start3A_127 = arith.constant 0 : i32
      %dma_start3A_128 = tpu.memref_slice %arg5[%add3A_124, %dma_start3A_127] : memref<32768x256xf32, #tpu.memory_space<hbm>> -> memref<16x256xf32, #tpu.memory_space<hbm>>
      tpu.enqueue_dma source(%arg10 : memref<16x256xf32, #tpu.memory_space<vmem>>) target(%dma_start3A_128 : memref<16x256xf32, #tpu.memory_space<hbm>>) target_semaphore(%arg14 : memref<!tpu.dma_semaphore, #tpu.memory_space<semaphore_mem>>)
      %dma_wait3A_129 = arith.constant 0 : i32
      %dma_wait3A_130 = arith.constant 0 : i32
      %dma_wait3A_131 = tpu.memref_slice %arg2[%dma_wait3A_129, %dma_wait3A_130] : memref<32768x256xf32, #tpu.memory_space<hbm>> -> memref<48x256xf32, #tpu.memory_space<hbm>>
      %dma_wait3A_132 = arith.constant 0 : i32
      %dma_wait3A_133 = arith.constant 0 : i32
      %dma_wait3A_134 = tpu.memref_slice %arg2[%dma_wait3A_132, %dma_wait3A_133] : memref<32768x256xf32, #tpu.memory_space<hbm>> -> memref<48x256xf32, #tpu.memory_space<hbm>>
      tpu.wait_dma2 semaphore(%arg13 : memref<!tpu.dma_semaphore, #tpu.memory_space<semaphore_mem>>) src(%dma_wait3A_134 : memref<48x256xf32, #tpu.memory_space<hbm>>) dst(%arg9 : memref<48x256xf32, #tpu.memory_space<vmem>>)
      %add3A_135 = arith.constant 2 : i32
      %add3A_136 = arith.addi %add3A_58, %add3A_135 : i32
      %lt3A = arith.constant 64 : i32
      %lt3A_137 = arith.cmpi slt, %add3A_136, %lt3A : i32
      %convert_element_type3A_138 = arith.extui %lt3A_137 : i1 to i32
      %cond3A_139 = arith.constant 0 : i32
      %cond3A_140 = arith.cmpi ne, %convert_element_type3A_138, %cond3A_139 : i32
      scf.if %cond3A_140 {
        %add3A_181 = arith.constant 2 : i32
        %add3A_182 = arith.addi %add3A_58, %add3A_181 : i32
        %mul3A_183 = arith.constant 16 : i32
        %mul3A_184 = arith.muli %add3A_182, %mul3A_183 : i32
        %multiple_of3A_185 = tpu.assume_multiple %mul3A_184, 16 : i32
        %add3A_186 = arith.constant 0 : i32
        %add3A_187 = arith.addi %add3A_186, %multiple_of3A_185 : i32
        %dma_start3A_188 = arith.constant 0 : i32
        %dma_start3A_189 = arith.constant 0 : i32
        %dma_start3A_190 = tpu.memref_slice %arg8[%dma_start3A_188, %dma_start3A_189] : memref<48x256xf32, #tpu.memory_space<vmem>> -> memref<16x256xf32, #tpu.memory_space<vmem>>
        %dma_start3A_191 = tpu.memref_slice %arg6[%add3A_187] : memref<3072xi32, #tpu.memory_space<vmem>> -> memref<16xi32, #tpu.memory_space<vmem>>
        %dma_start3A_192 = arith.constant 0 : i32
        %dma_start3A_193 = arith.constant 0 : i32
        %dma_start3A_194 = tpu.memref_slice %arg2[%dma_start3A_192, %dma_start3A_193] : memref<32768x256xf32, #tpu.memory_space<hbm>> -> memref<32768x256xf32, #tpu.memory_space<hbm>>
        tpu.enqueue_indirect_dma source(%dma_start3A_194 : memref<32768x256xf32, #tpu.memory_space<hbm>>) target(%dma_start3A_190 : memref<16x256xf32, #tpu.memory_space<vmem>>) offsets(%dma_start3A_191 : memref<16xi32, #tpu.memory_space<vmem>>) semaphore(%arg12 : memref<!tpu.dma_semaphore, #tpu.memory_space<semaphore_mem>>)
        %add3A_195 = arith.constant 1024 : i32
        %add3A_196 = arith.addi %add3A_195, %multiple_of3A_185 : i32
        %dma_start3A_197 = arith.constant 16 : i32
        %dma_start3A_198 = arith.constant 0 : i32
        %dma_start3A_199 = tpu.memref_slice %arg8[%dma_start3A_197, %dma_start3A_198] : memref<48x256xf32, #tpu.memory_space<vmem>> -> memref<16x256xf32, #tpu.memory_space<vmem>>
        %dma_start3A_200 = tpu.memref_slice %arg6[%add3A_196] : memref<3072xi32, #tpu.memory_space<vmem>> -> memref<16xi32, #tpu.memory_space<vmem>>
        %dma_start3A_201 = arith.constant 0 : i32
        %dma_start3A_202 = arith.constant 0 : i32
        %dma_start3A_203 = tpu.memref_slice %arg2[%dma_start3A_201, %dma_start3A_202] : memref<32768x256xf32, #tpu.memory_space<hbm>> -> memref<32768x256xf32, #tpu.memory_space<hbm>>
        tpu.enqueue_indirect_dma source(%dma_start3A_203 : memref<32768x256xf32, #tpu.memory_space<hbm>>) target(%dma_start3A_199 : memref<16x256xf32, #tpu.memory_space<vmem>>) offsets(%dma_start3A_200 : memref<16xi32, #tpu.memory_space<vmem>>) semaphore(%arg12 : memref<!tpu.dma_semaphore, #tpu.memory_space<semaphore_mem>>)
        %add3A_204 = arith.constant 2048 : i32
        %add3A_205 = arith.addi %add3A_204, %multiple_of3A_185 : i32
        %dma_start3A_206 = arith.constant 32 : i32
        %dma_start3A_207 = arith.constant 0 : i32
        %dma_start3A_208 = tpu.memref_slice %arg8[%dma_start3A_206, %dma_start3A_207] : memref<48x256xf32, #tpu.memory_space<vmem>> -> memref<16x256xf32, #tpu.memory_space<vmem>>
        %dma_start3A_209 = tpu.memref_slice %arg6[%add3A_205] : memref<3072xi32, #tpu.memory_space<vmem>> -> memref<16xi32, #tpu.memory_space<vmem>>
        %dma_start3A_210 = arith.constant 0 : i32
        %dma_start3A_211 = arith.constant 0 : i32
        %dma_start3A_212 = tpu.memref_slice %arg2[%dma_start3A_210, %dma_start3A_211] : memref<32768x256xf32, #tpu.memory_space<hbm>> -> memref<32768x256xf32, #tpu.memory_space<hbm>>
        tpu.enqueue_indirect_dma source(%dma_start3A_212 : memref<32768x256xf32, #tpu.memory_space<hbm>>) target(%dma_start3A_208 : memref<16x256xf32, #tpu.memory_space<vmem>>) offsets(%dma_start3A_209 : memref<16xi32, #tpu.memory_space<vmem>>) semaphore(%arg12 : memref<!tpu.dma_semaphore, #tpu.memory_space<semaphore_mem>>)
      } else {
      }
      %ge3A_141 = arith.constant 2 : i32
      %ge3A_142 = arith.cmpi sge, %add3A_58, %ge3A_141 : i32
      %convert_element_type3A_143 = arith.extui %ge3A_142 : i1 to i32
      %cond3A_144 = arith.constant 0 : i32
      %cond3A_145 = arith.cmpi ne, %convert_element_type3A_143, %cond3A_144 : i32
      scf.if %cond3A_145 {
        %dma_wait3A_181 = arith.constant 0 : i32
        %dma_wait3A_182 = tpu.memref_slice %arg5[%multiple_of3A, %dma_wait3A_181] : memref<32768x256xf32, #tpu.memory_space<hbm>> -> memref<16x256xf32, #tpu.memory_space<hbm>>
        %dma_wait3A_183 = arith.constant 0 : i32
        %dma_wait3A_184 = tpu.memref_slice %arg5[%multiple_of3A, %dma_wait3A_183] : memref<32768x256xf32, #tpu.memory_space<hbm>> -> memref<16x256xf32, #tpu.memory_space<hbm>>
        tpu.wait_dma2 semaphore(%arg15 : memref<!tpu.dma_semaphore, #tpu.memory_space<semaphore_mem>>) src(%arg11 : memref<16x256xf32, #tpu.memory_space<vmem>>) dst(%dma_wait3A_184 : memref<16x256xf32, #tpu.memory_space<hbm>>)
      } else {
      }
      %add3A_146 = arith.constant 1 : i32
      %add3A_147 = arith.addi %add3A_58, %add3A_146 : i32
      %mul3A_148 = arith.constant 16 : i32
      %mul3A_149 = arith.muli %add3A_147, %mul3A_148 : i32
      %multiple_of3A_150 = tpu.assume_multiple %mul3A_149, 16 : i32
      %add3A_151 = arith.constant 0 : i32
      %add3A_152 = arith.addi %add3A_151, %multiple_of3A_150 : i32
      %get3A_153 = arith.index_cast %add3A_152 : i32 to index
      %get3A_154 = tpu.vector_load %arg7[%get3A_153] {strides = array<i32>} : memref<3072xf32, #tpu.memory_space<vmem>>, vector<16xf32>,
      %get3A_155 = vector.shape_cast %get3A_154 : vector<16xf32> to vector<16xf32>
      %add3A_156 = arith.constant 1024 : i32
      %add3A_157 = arith.addi %add3A_156, %multiple_of3A_150 : i32
      %get3A_158 = arith.index_cast %add3A_157 : i32 to index
      %get3A_159 = tpu.vector_load %arg7[%get3A_158] {strides = array<i32>} : memref<3072xf32, #tpu.memory_space<vmem>>, vector<16xf32>,
      %get3A_160 = vector.shape_cast %get3A_159 : vector<16xf32> to vector<16xf32>
      %add3A_161 = arith.constant 2048 : i32
      %add3A_162 = arith.addi %add3A_161, %multiple_of3A_150 : i32
      %get3A_163 = arith.index_cast %add3A_162 : i32 to index
      %get3A_164 = tpu.vector_load %arg7[%get3A_163] {strides = array<i32>} : memref<3072xf32, #tpu.memory_space<vmem>>, vector<16xf32>,
      %get3A_165 = vector.shape_cast %get3A_164 : vector<16xf32> to vector<16xf32>
      %scan3A_166 = arith.constant 0 : i32
      %scan3A_167 = arith.constant 16 : i32
      %scan3A_168 = arith.addi %scan3A_166, %scan3A_167 : i32
      %scan3A_169 = arith.constant 1 : i32
      scf.for %scan3A_181 = %scan3A_166 to %scan3A_168 step %scan3A_169  : i32 {
        %mul3A_182 = arith.constant 1 : i32
        %mul3A_183 = arith.muli %scan3A_181, %mul3A_182 : i32
        %add3A_184 = arith.constant 0 : i32
        %add3A_185 = arith.addi %add3A_184, %mul3A_183 : i32
        %broadcast_in_dim3A = vector.broadcast %add3A_185 : i32 to vector<16x1xi32>
        %gather3A = vector.shape_cast %broadcast_in_dim3A : vector<16x1xi32> to vector<16xi32>
        %gather3A_186 = tpu.dynamic_gather %get3A_155[%gather3A] in [0] : vector<16xf32>, vector<16xi32> -> vector<16xf32>
        %gather3A_187 = vector.shape_cast %broadcast_in_dim3A : vector<16x1xi32> to vector<16xi32>
        %gather3A_188 = tpu.dynamic_gather %get3A_160[%gather3A_187] in [0] : vector<16xf32>, vector<16xi32> -> vector<16xf32>
        %gather3A_189 = vector.shape_cast %broadcast_in_dim3A : vector<16x1xi32> to vector<16xi32>
        %gather3A_190 = tpu.dynamic_gather %get3A_165[%gather3A_189] in [0] : vector<16xf32>, vector<16xi32> -> vector<16xf32>
        %get3A_191 = arith.index_cast %add3A_185 : i32 to index
        %get3A_192 = arith.constant 0 : index
        %get3A_193 = tpu.vector_load %arg9[%get3A_191, %get3A_192] {strides = array<i32>} : memref<48x256xf32, #tpu.memory_space<vmem>>, vector<1x16xf32>,
        %get3A_194 = vector.shape_cast %get3A_193 : vector<1x16xf32> to vector<16xf32>
        %add3A_195 = arith.constant 16 : i32
        %add3A_196 = arith.addi %add3A_195, %add3A_185 : i32
        %get3A_197 = arith.index_cast %add3A_196 : i32 to index
        %get3A_198 = arith.constant 0 : index
        %get3A_199 = tpu.vector_load %arg9[%get3A_197, %get3A_198] {strides = array<i32>} : memref<48x256xf32, #tpu.memory_space<vmem>>, vector<1x16xf32>,
        %get3A_200 = vector.shape_cast %get3A_199 : vector<1x16xf32> to vector<16xf32>
        %add3A_201 = arith.constant 32 : i32
        %add3A_202 = arith.addi %add3A_201, %add3A_185 : i32
        %get3A_203 = arith.index_cast %add3A_202 : i32 to index
        %get3A_204 = arith.constant 0 : index
        %get3A_205 = tpu.vector_load %arg9[%get3A_203, %get3A_204] {strides = array<i32>} : memref<48x256xf32, #tpu.memory_space<vmem>>, vector<1x16xf32>,
        %get3A_206 = vector.shape_cast %get3A_205 : vector<1x16xf32> to vector<16xf32>
        %mul3A_207 = arith.mulf %get3A_194, %gather3A_186 : vector<16xf32>
        %mul3A_208 = arith.mulf %get3A_200, %gather3A_188 : vector<16xf32>
        %add3A_209 = arith.addf %mul3A_207, %mul3A_208 : vector<16xf32>
        %mul3A_210 = arith.mulf %get3A_206, %gather3A_190 : vector<16xf32>
        %add3A_211 = arith.addf %add3A_209, %mul3A_210 : vector<16xf32>
        %swap3A = arith.index_cast %add3A_185 : i32 to index
        %swap3A_212 = arith.constant 0 : index
        %swap3A_213 = tpu.vector_load %arg11[%swap3A, %swap3A_212] {strides = array<i32>} : memref<16x256xf32, #tpu.memory_space<vmem>>, vector<1x16xf32>,
        %swap3A_214 = vector.shape_cast %swap3A_213 : vector<1x16xf32> to vector<16xf32>
        %swap3A_215 = vector.shape_cast %add3A_211 : vector<16xf32> to vector<1x16xf32>
        tpu.vector_store %arg11[%swap3A, %swap3A_212], %swap3A_215 {strides = array<i32>} : memref<16x256xf32, #tpu.memory_space<vmem>>, vector<1x16xf32>,
        %get3A_216 = arith.index_cast %add3A_185 : i32 to index
        %get3A_217 = arith.constant 16 : index
        %get3A_218 = tpu.vector_load %arg9[%get3A_216, %get3A_217] {strides = array<i32>} : memref<48x256xf32, #tpu.memory_space<vmem>>, vector<1x16xf32>,
        %get3A_219 = vector.shape_cast %get3A_218 : vector<1x16xf32> to vector<16xf32>
        %add3A_220 = arith.constant 16 : i32
        %add3A_221 = arith.addi %add3A_220, %add3A_185 : i32
        %get3A_222 = arith.index_cast %add3A_221 : i32 to index
        %get3A_223 = arith.constant 16 : index
        %get3A_224 = tpu.vector_load %arg9[%get3A_222, %get3A_223] {strides = array<i32>} : memref<48x256xf32, #tpu.memory_space<vmem>>, vector<1x16xf32>,
        %get3A_225 = vector.shape_cast %get3A_224 : vector<1x16xf32> to vector<16xf32>
        %add3A_226 = arith.constant 32 : i32
        %add3A_227 = arith.addi %add3A_226, %add3A_185 : i32
        %get3A_228 = arith.index_cast %add3A_227 : i32 to index
        %get3A_229 = arith.constant 16 : index
        %get3A_230 = tpu.vector_load %arg9[%get3A_228, %get3A_229] {strides = array<i32>} : memref<48x256xf32, #tpu.memory_space<vmem>>, vector<1x16xf32>,
        %get3A_231 = vector.shape_cast %get3A_230 : vector<1x16xf32> to vector<16xf32>
        %mul3A_232 = arith.mulf %get3A_219, %gather3A_186 : vector<16xf32>
        %mul3A_233 = arith.mulf %get3A_225, %gather3A_188 : vector<16xf32>
        %add3A_234 = arith.addf %mul3A_232, %mul3A_233 : vector<16xf32>
        %mul3A_235 = arith.mulf %get3A_231, %gather3A_190 : vector<16xf32>
        %add3A_236 = arith.addf %add3A_234, %mul3A_235 : vector<16xf32>
        %swap3A_237 = arith.index_cast %add3A_185 : i32 to index
        %swap3A_238 = arith.constant 16 : index
        %swap3A_239 = tpu.vector_load %arg11[%swap3A_237, %swap3A_238] {strides = array<i32>} : memref<16x256xf32, #tpu.memory_space<vmem>>, vector<1x16xf32>,
        %swap3A_240 = vector.shape_cast %swap3A_239 : vector<1x16xf32> to vector<16xf32>
        %swap3A_241 = vector.shape_cast %add3A_236 : vector<16xf32> to vector<1x16xf32>
        tpu.vector_store %arg11[%swap3A_237, %swap3A_238], %swap3A_241 {strides = array<i32>} : memref<16x256xf32, #tpu.memory_space<vmem>>, vector<1x16xf32>,
        %get3A_242 = arith.index_cast %add3A_185 : i32 to index
        %get3A_243 = arith.constant 32 : index
        %get3A_244 = tpu.vector_load %arg9[%get3A_242, %get3A_243] {strides = array<i32>} : memref<48x256xf32, #tpu.memory_space<vmem>>, vector<1x16xf32>,
        %get3A_245 = vector.shape_cast %get3A_244 : vector<1x16xf32> to vector<16xf32>
        %add3A_246 = arith.constant 16 : i32
        %add3A_247 = arith.addi %add3A_246, %add3A_185 : i32
        %get3A_248 = arith.index_cast %add3A_247 : i32 to index
        %get3A_249 = arith.constant 32 : index
        %get3A_250 = tpu.vector_load %arg9[%get3A_248, %get3A_249] {strides = array<i32>} : memref<48x256xf32, #tpu.memory_space<vmem>>, vector<1x16xf32>,
        %get3A_251 = vector.shape_cast %get3A_250 : vector<1x16xf32> to vector<16xf32>
        %add3A_252 = arith.constant 32 : i32
        %add3A_253 = arith.addi %add3A_252, %add3A_185 : i32
        %get3A_254 = arith.index_cast %add3A_253 : i32 to index
        %get3A_255 = arith.constant 32 : index
        %get3A_256 = tpu.vector_load %arg9[%get3A_254, %get3A_255] {strides = array<i32>} : memref<48x256xf32, #tpu.memory_space<vmem>>, vector<1x16xf32>,
        %get3A_257 = vector.shape_cast %get3A_256 : vector<1x16xf32> to vector<16xf32>
        %mul3A_258 = arith.mulf %get3A_245, %gather3A_186 : vector<16xf32>
        %mul3A_259 = arith.mulf %get3A_251, %gather3A_188 : vector<16xf32>
        %add3A_260 = arith.addf %mul3A_258, %mul3A_259 : vector<16xf32>
        %mul3A_261 = arith.mulf %get3A_257, %gather3A_190 : vector<16xf32>
        %add3A_262 = arith.addf %add3A_260, %mul3A_261 : vector<16xf32>
        %swap3A_263 = arith.index_cast %add3A_185 : i32 to index
        %swap3A_264 = arith.constant 32 : index
        %swap3A_265 = tpu.vector_load %arg11[%swap3A_263, %swap3A_264] {strides = array<i32>} : memref<16x256xf32, #tpu.memory_space<vmem>>, vector<1x16xf32>,
        %swap3A_266 = vector.shape_cast %swap3A_265 : vector<1x16xf32> to vector<16xf32>
        %swap3A_267 = vector.shape_cast %add3A_262 : vector<16xf32> to vector<1x16xf32>
        tpu.vector_store %arg11[%swap3A_263, %swap3A_264], %swap3A_267 {strides = array<i32>} : memref<16x256xf32, #tpu.memory_space<vmem>>, vector<1x16xf32>,
        %get3A_268 = arith.index_cast %add3A_185 : i32 to index
        %get3A_269 = arith.constant 48 : index
        %get3A_270 = tpu.vector_load %arg9[%get3A_268, %get3A_269] {strides = array<i32>} : memref<48x256xf32, #tpu.memory_space<vmem>>, vector<1x16xf32>,
        %get3A_271 = vector.shape_cast %get3A_270 : vector<1x16xf32> to vector<16xf32>
        %add3A_272 = arith.constant 16 : i32
        %add3A_273 = arith.addi %add3A_272, %add3A_185 : i32
        %get3A_274 = arith.index_cast %add3A_273 : i32 to index
        %get3A_275 = arith.constant 48 : index
        %get3A_276 = tpu.vector_load %arg9[%get3A_274, %get3A_275] {strides = array<i32>} : memref<48x256xf32, #tpu.memory_space<vmem>>, vector<1x16xf32>,
        %get3A_277 = vector.shape_cast %get3A_276 : vector<1x16xf32> to vector<16xf32>
        %add3A_278 = arith.constant 32 : i32
        %add3A_279 = arith.addi %add3A_278, %add3A_185 : i32
        %get3A_280 = arith.index_cast %add3A_279 : i32 to index
        %get3A_281 = arith.constant 48 : index
        %get3A_282 = tpu.vector_load %arg9[%get3A_280, %get3A_281] {strides = array<i32>} : memref<48x256xf32, #tpu.memory_space<vmem>>, vector<1x16xf32>,
        %get3A_283 = vector.shape_cast %get3A_282 : vector<1x16xf32> to vector<16xf32>
        %mul3A_284 = arith.mulf %get3A_271, %gather3A_186 : vector<16xf32>
        %mul3A_285 = arith.mulf %get3A_277, %gather3A_188 : vector<16xf32>
        %add3A_286 = arith.addf %mul3A_284, %mul3A_285 : vector<16xf32>
        %mul3A_287 = arith.mulf %get3A_283, %gather3A_190 : vector<16xf32>
        %add3A_288 = arith.addf %add3A_286, %mul3A_287 : vector<16xf32>
        %swap3A_289 = arith.index_cast %add3A_185 : i32 to index
        %swap3A_290 = arith.constant 48 : index
        %swap3A_291 = tpu.vector_load %arg11[%swap3A_289, %swap3A_290] {strides = array<i32>} : memref<16x256xf32, #tpu.memory_space<vmem>>, vector<1x16xf32>,
        %swap3A_292 = vector.shape_cast %swap3A_291 : vector<1x16xf32> to vector<16xf32>
        %swap3A_293 = vector.shape_cast %add3A_288 : vector<16xf32> to vector<1x16xf32>
        tpu.vector_store %arg11[%swap3A_289, %swap3A_290], %swap3A_293 {strides = array<i32>} : memref<16x256xf32, #tpu.memory_space<vmem>>, vector<1x16xf32>,
        %get3A_294 = arith.index_cast %add3A_185 : i32 to index
        %get3A_295 = arith.constant 64 : index
        %get3A_296 = tpu.vector_load %arg9[%get3A_294, %get3A_295] {strides = array<i32>} : memref<48x256xf32, #tpu.memory_space<vmem>>, vector<1x16xf32>,
        %get3A_297 = vector.shape_cast %get3A_296 : vector<1x16xf32> to vector<16xf32>
        %add3A_298 = arith.constant 16 : i32
        %add3A_299 = arith.addi %add3A_298, %add3A_185 : i32
        %get3A_300 = arith.index_cast %add3A_299 : i32 to index
        %get3A_301 = arith.constant 64 : index
        %get3A_302 = tpu.vector_load %arg9[%get3A_300, %get3A_301] {strides = array<i32>} : memref<48x256xf32, #tpu.memory_space<vmem>>, vector<1x16xf32>,
        %get3A_303 = vector.shape_cast %get3A_302 : vector<1x16xf32> to vector<16xf32>
        %add3A_304 = arith.constant 32 : i32
        %add3A_305 = arith.addi %add3A_304, %add3A_185 : i32
        %get3A_306 = arith.index_cast %add3A_305 : i32 to index
        %get3A_307 = arith.constant 64 : index
        %get3A_308 = tpu.vector_load %arg9[%get3A_306, %get3A_307] {strides = array<i32>} : memref<48x256xf32, #tpu.memory_space<vmem>>, vector<1x16xf32>,
        %get3A_309 = vector.shape_cast %get3A_308 : vector<1x16xf32> to vector<16xf32>
        %mul3A_310 = arith.mulf %get3A_297, %gather3A_186 : vector<16xf32>
        %mul3A_311 = arith.mulf %get3A_303, %gather3A_188 : vector<16xf32>
        %add3A_312 = arith.addf %mul3A_310, %mul3A_311 : vector<16xf32>
        %mul3A_313 = arith.mulf %get3A_309, %gather3A_190 : vector<16xf32>
        %add3A_314 = arith.addf %add3A_312, %mul3A_313 : vector<16xf32>
        %swap3A_315 = arith.index_cast %add3A_185 : i32 to index
        %swap3A_316 = arith.constant 64 : index
        %swap3A_317 = tpu.vector_load %arg11[%swap3A_315, %swap3A_316] {strides = array<i32>} : memref<16x256xf32, #tpu.memory_space<vmem>>, vector<1x16xf32>,
        %swap3A_318 = vector.shape_cast %swap3A_317 : vector<1x16xf32> to vector<16xf32>
        %swap3A_319 = vector.shape_cast %add3A_314 : vector<16xf32> to vector<1x16xf32>
        tpu.vector_store %arg11[%swap3A_315, %swap3A_316], %swap3A_319 {strides = array<i32>} : memref<16x256xf32, #tpu.memory_space<vmem>>, vector<1x16xf32>,
        %get3A_320 = arith.index_cast %add3A_185 : i32 to index
        %get3A_321 = arith.constant 80 : index
        %get3A_322 = tpu.vector_load %arg9[%get3A_320, %get3A_321] {strides = array<i32>} : memref<48x256xf32, #tpu.memory_space<vmem>>, vector<1x16xf32>,
        %get3A_323 = vector.shape_cast %get3A_322 : vector<1x16xf32> to vector<16xf32>
        %add3A_324 = arith.constant 16 : i32
        %add3A_325 = arith.addi %add3A_324, %add3A_185 : i32
        %get3A_326 = arith.index_cast %add3A_325 : i32 to index
        %get3A_327 = arith.constant 80 : index
        %get3A_328 = tpu.vector_load %arg9[%get3A_326, %get3A_327] {strides = array<i32>} : memref<48x256xf32, #tpu.memory_space<vmem>>, vector<1x16xf32>,
        %get3A_329 = vector.shape_cast %get3A_328 : vector<1x16xf32> to vector<16xf32>
        %add3A_330 = arith.constant 32 : i32
        %add3A_331 = arith.addi %add3A_330, %add3A_185 : i32
        %get3A_332 = arith.index_cast %add3A_331 : i32 to index
        %get3A_333 = arith.constant 80 : index
        %get3A_334 = tpu.vector_load %arg9[%get3A_332, %get3A_333] {strides = array<i32>} : memref<48x256xf32, #tpu.memory_space<vmem>>, vector<1x16xf32>,
        %get3A_335 = vector.shape_cast %get3A_334 : vector<1x16xf32> to vector<16xf32>
        %mul3A_336 = arith.mulf %get3A_323, %gather3A_186 : vector<16xf32>
        %mul3A_337 = arith.mulf %get3A_329, %gather3A_188 : vector<16xf32>
        %add3A_338 = arith.addf %mul3A_336, %mul3A_337 : vector<16xf32>
        %mul3A_339 = arith.mulf %get3A_335, %gather3A_190 : vector<16xf32>
        %add3A_340 = arith.addf %add3A_338, %mul3A_339 : vector<16xf32>
        %swap3A_341 = arith.index_cast %add3A_185 : i32 to index
        %swap3A_342 = arith.constant 80 : index
        %swap3A_343 = tpu.vector_load %arg11[%swap3A_341, %swap3A_342] {strides = array<i32>} : memref<16x256xf32, #tpu.memory_space<vmem>>, vector<1x16xf32>,
        %swap3A_344 = vector.shape_cast %swap3A_343 : vector<1x16xf32> to vector<16xf32>
        %swap3A_345 = vector.shape_cast %add3A_340 : vector<16xf32> to vector<1x16xf32>
        tpu.vector_store %arg11[%swap3A_341, %swap3A_342], %swap3A_345 {strides = array<i32>} : memref<16x256xf32, #tpu.memory_space<vmem>>, vector<1x16xf32>,
        %get3A_346 = arith.index_cast %add3A_185 : i32 to index
        %get3A_347 = arith.constant 96 : index
        %get3A_348 = tpu.vector_load %arg9[%get3A_346, %get3A_347] {strides = array<i32>} : memref<48x256xf32, #tpu.memory_space<vmem>>, vector<1x16xf32>,
        %get3A_349 = vector.shape_cast %get3A_348 : vector<1x16xf32> to vector<16xf32>
        %add3A_350 = arith.constant 16 : i32
        %add3A_351 = arith.addi %add3A_350, %add3A_185 : i32
        %get3A_352 = arith.index_cast %add3A_351 : i32 to index
        %get3A_353 = arith.constant 96 : index
        %get3A_354 = tpu.vector_load %arg9[%get3A_352, %get3A_353] {strides = array<i32>} : memref<48x256xf32, #tpu.memory_space<vmem>>, vector<1x16xf32>,
        %get3A_355 = vector.shape_cast %get3A_354 : vector<1x16xf32> to vector<16xf32>
        %add3A_356 = arith.constant 32 : i32
        %add3A_357 = arith.addi %add3A_356, %add3A_185 : i32
        %get3A_358 = arith.index_cast %add3A_357 : i32 to index
        %get3A_359 = arith.constant 96 : index
        %get3A_360 = tpu.vector_load %arg9[%get3A_358, %get3A_359] {strides = array<i32>} : memref<48x256xf32, #tpu.memory_space<vmem>>, vector<1x16xf32>,
        %get3A_361 = vector.shape_cast %get3A_360 : vector<1x16xf32> to vector<16xf32>
        %mul3A_362 = arith.mulf %get3A_349, %gather3A_186 : vector<16xf32>
        %mul3A_363 = arith.mulf %get3A_355, %gather3A_188 : vector<16xf32>
        %add3A_364 = arith.addf %mul3A_362, %mul3A_363 : vector<16xf32>
        %mul3A_365 = arith.mulf %get3A_361, %gather3A_190 : vector<16xf32>
        %add3A_366 = arith.addf %add3A_364, %mul3A_365 : vector<16xf32>
        %swap3A_367 = arith.index_cast %add3A_185 : i32 to index
        %swap3A_368 = arith.constant 96 : index
        %swap3A_369 = tpu.vector_load %arg11[%swap3A_367, %swap3A_368] {strides = array<i32>} : memref<16x256xf32, #tpu.memory_space<vmem>>, vector<1x16xf32>,
        %swap3A_370 = vector.shape_cast %swap3A_369 : vector<1x16xf32> to vector<16xf32>
        %swap3A_371 = vector.shape_cast %add3A_366 : vector<16xf32> to vector<1x16xf32>
        tpu.vector_store %arg11[%swap3A_367, %swap3A_368], %swap3A_371 {strides = array<i32>} : memref<16x256xf32, #tpu.memory_space<vmem>>, vector<1x16xf32>,
        %get3A_372 = arith.index_cast %add3A_185 : i32 to index
        %get3A_373 = arith.constant 112 : index
        %get3A_374 = tpu.vector_load %arg9[%get3A_372, %get3A_373] {strides = array<i32>} : memref<48x256xf32, #tpu.memory_space<vmem>>, vector<1x16xf32>,
        %get3A_375 = vector.shape_cast %get3A_374 : vector<1x16xf32> to vector<16xf32>
        %add3A_376 = arith.constant 16 : i32
        %add3A_377 = arith.addi %add3A_376, %add3A_185 : i32
        %get3A_378 = arith.index_cast %add3A_377 : i32 to index
        %get3A_379 = arith.constant 112 : index
        %get3A_380 = tpu.vector_load %arg9[%get3A_378, %get3A_379] {strides = array<i32>} : memref<48x256xf32, #tpu.memory_space<vmem>>, vector<1x16xf32>,
        %get3A_381 = vector.shape_cast %get3A_380 : vector<1x16xf32> to vector<16xf32>
        %add3A_382 = arith.constant 32 : i32
        %add3A_383 = arith.addi %add3A_382, %add3A_185 : i32
        %get3A_384 = arith.index_cast %add3A_383 : i32 to index
        %get3A_385 = arith.constant 112 : index
        %get3A_386 = tpu.vector_load %arg9[%get3A_384, %get3A_385] {strides = array<i32>} : memref<48x256xf32, #tpu.memory_space<vmem>>, vector<1x16xf32>,
        %get3A_387 = vector.shape_cast %get3A_386 : vector<1x16xf32> to vector<16xf32>
        %mul3A_388 = arith.mulf %get3A_375, %gather3A_186 : vector<16xf32>
        %mul3A_389 = arith.mulf %get3A_381, %gather3A_188 : vector<16xf32>
        %add3A_390 = arith.addf %mul3A_388, %mul3A_389 : vector<16xf32>
        %mul3A_391 = arith.mulf %get3A_387, %gather3A_190 : vector<16xf32>
        %add3A_392 = arith.addf %add3A_390, %mul3A_391 : vector<16xf32>
        %swap3A_393 = arith.index_cast %add3A_185 : i32 to index
        %swap3A_394 = arith.constant 112 : index
        %swap3A_395 = tpu.vector_load %arg11[%swap3A_393, %swap3A_394] {strides = array<i32>} : memref<16x256xf32, #tpu.memory_space<vmem>>, vector<1x16xf32>,
        %swap3A_396 = vector.shape_cast %swap3A_395 : vector<1x16xf32> to vector<16xf32>
        %swap3A_397 = vector.shape_cast %add3A_392 : vector<16xf32> to vector<1x16xf32>
        tpu.vector_store %arg11[%swap3A_393, %swap3A_394], %swap3A_397 {strides = array<i32>} : memref<16x256xf32, #tpu.memory_space<vmem>>, vector<1x16xf32>,
        %get3A_398 = arith.index_cast %add3A_185 : i32 to index
        %get3A_399 = arith.constant 128 : index
        %get3A_400 = tpu.vector_load %arg9[%get3A_398, %get3A_399] {strides = array<i32>} : memref<48x256xf32, #tpu.memory_space<vmem>>, vector<1x16xf32>,
        %get3A_401 = vector.shape_cast %get3A_400 : vector<1x16xf32> to vector<16xf32>
        %add3A_402 = arith.constant 16 : i32
        %add3A_403 = arith.addi %add3A_402, %add3A_185 : i32
        %get3A_404 = arith.index_cast %add3A_403 : i32 to index
        %get3A_405 = arith.constant 128 : index
        %get3A_406 = tpu.vector_load %arg9[%get3A_404, %get3A_405] {strides = array<i32>} : memref<48x256xf32, #tpu.memory_space<vmem>>, vector<1x16xf32>,
        %get3A_407 = vector.shape_cast %get3A_406 : vector<1x16xf32> to vector<16xf32>
        %add3A_408 = arith.constant 32 : i32
        %add3A_409 = arith.addi %add3A_408, %add3A_185 : i32
        %get3A_410 = arith.index_cast %add3A_409 : i32 to index
        %get3A_411 = arith.constant 128 : index
        %get3A_412 = tpu.vector_load %arg9[%get3A_410, %get3A_411] {strides = array<i32>} : memref<48x256xf32, #tpu.memory_space<vmem>>, vector<1x16xf32>,
        %get3A_413 = vector.shape_cast %get3A_412 : vector<1x16xf32> to vector<16xf32>
        %mul3A_414 = arith.mulf %get3A_401, %gather3A_186 : vector<16xf32>
        %mul3A_415 = arith.mulf %get3A_407, %gather3A_188 : vector<16xf32>
        %add3A_416 = arith.addf %mul3A_414, %mul3A_415 : vector<16xf32>
        %mul3A_417 = arith.mulf %get3A_413, %gather3A_190 : vector<16xf32>
        %add3A_418 = arith.addf %add3A_416, %mul3A_417 : vector<16xf32>
        %swap3A_419 = arith.index_cast %add3A_185 : i32 to index
        %swap3A_420 = arith.constant 128 : index
        %swap3A_421 = tpu.vector_load %arg11[%swap3A_419, %swap3A_420] {strides = array<i32>} : memref<16x256xf32, #tpu.memory_space<vmem>>, vector<1x16xf32>,
        %swap3A_422 = vector.shape_cast %swap3A_421 : vector<1x16xf32> to vector<16xf32>
        %swap3A_423 = vector.shape_cast %add3A_418 : vector<16xf32> to vector<1x16xf32>
        tpu.vector_store %arg11[%swap3A_419, %swap3A_420], %swap3A_423 {strides = array<i32>} : memref<16x256xf32, #tpu.memory_space<vmem>>, vector<1x16xf32>,
        %get3A_424 = arith.index_cast %add3A_185 : i32 to index
        %get3A_425 = arith.constant 144 : index
        %get3A_426 = tpu.vector_load %arg9[%get3A_424, %get3A_425] {strides = array<i32>} : memref<48x256xf32, #tpu.memory_space<vmem>>, vector<1x16xf32>,
        %get3A_427 = vector.shape_cast %get3A_426 : vector<1x16xf32> to vector<16xf32>
        %add3A_428 = arith.constant 16 : i32
        %add3A_429 = arith.addi %add3A_428, %add3A_185 : i32
        %get3A_430 = arith.index_cast %add3A_429 : i32 to index
        %get3A_431 = arith.constant 144 : index
        %get3A_432 = tpu.vector_load %arg9[%get3A_430, %get3A_431] {strides = array<i32>} : memref<48x256xf32, #tpu.memory_space<vmem>>, vector<1x16xf32>,
        %get3A_433 = vector.shape_cast %get3A_432 : vector<1x16xf32> to vector<16xf32>
        %add3A_434 = arith.constant 32 : i32
        %add3A_435 = arith.addi %add3A_434, %add3A_185 : i32
        %get3A_436 = arith.index_cast %add3A_435 : i32 to index
        %get3A_437 = arith.constant 144 : index
        %get3A_438 = tpu.vector_load %arg9[%get3A_436, %get3A_437] {strides = array<i32>} : memref<48x256xf32, #tpu.memory_space<vmem>>, vector<1x16xf32>,
        %get3A_439 = vector.shape_cast %get3A_438 : vector<1x16xf32> to vector<16xf32>
        %mul3A_440 = arith.mulf %get3A_427, %gather3A_186 : vector<16xf32>
        %mul3A_441 = arith.mulf %get3A_433, %gather3A_188 : vector<16xf32>
        %add3A_442 = arith.addf %mul3A_440, %mul3A_441 : vector<16xf32>
        %mul3A_443 = arith.mulf %get3A_439, %gather3A_190 : vector<16xf32>
        %add3A_444 = arith.addf %add3A_442, %mul3A_443 : vector<16xf32>
        %swap3A_445 = arith.index_cast %add3A_185 : i32 to index
        %swap3A_446 = arith.constant 144 : index
        %swap3A_447 = tpu.vector_load %arg11[%swap3A_445, %swap3A_446] {strides = array<i32>} : memref<16x256xf32, #tpu.memory_space<vmem>>, vector<1x16xf32>,
        %swap3A_448 = vector.shape_cast %swap3A_447 : vector<1x16xf32> to vector<16xf32>
        %swap3A_449 = vector.shape_cast %add3A_444 : vector<16xf32> to vector<1x16xf32>
        tpu.vector_store %arg11[%swap3A_445, %swap3A_446], %swap3A_449 {strides = array<i32>} : memref<16x256xf32, #tpu.memory_space<vmem>>, vector<1x16xf32>,
        %get3A_450 = arith.index_cast %add3A_185 : i32 to index
        %get3A_451 = arith.constant 160 : index
        %get3A_452 = tpu.vector_load %arg9[%get3A_450, %get3A_451] {strides = array<i32>} : memref<48x256xf32, #tpu.memory_space<vmem>>, vector<1x16xf32>,
        %get3A_453 = vector.shape_cast %get3A_452 : vector<1x16xf32> to vector<16xf32>
        %add3A_454 = arith.constant 16 : i32
        %add3A_455 = arith.addi %add3A_454, %add3A_185 : i32
        %get3A_456 = arith.index_cast %add3A_455 : i32 to index
        %get3A_457 = arith.constant 160 : index
        %get3A_458 = tpu.vector_load %arg9[%get3A_456, %get3A_457] {strides = array<i32>} : memref<48x256xf32, #tpu.memory_space<vmem>>, vector<1x16xf32>,
        %get3A_459 = vector.shape_cast %get3A_458 : vector<1x16xf32> to vector<16xf32>
        %add3A_460 = arith.constant 32 : i32
        %add3A_461 = arith.addi %add3A_460, %add3A_185 : i32
        %get3A_462 = arith.index_cast %add3A_461 : i32 to index
        %get3A_463 = arith.constant 160 : index
        %get3A_464 = tpu.vector_load %arg9[%get3A_462, %get3A_463] {strides = array<i32>} : memref<48x256xf32, #tpu.memory_space<vmem>>, vector<1x16xf32>,
        %get3A_465 = vector.shape_cast %get3A_464 : vector<1x16xf32> to vector<16xf32>
        %mul3A_466 = arith.mulf %get3A_453, %gather3A_186 : vector<16xf32>
        %mul3A_467 = arith.mulf %get3A_459, %gather3A_188 : vector<16xf32>
        %add3A_468 = arith.addf %mul3A_466, %mul3A_467 : vector<16xf32>
        %mul3A_469 = arith.mulf %get3A_465, %gather3A_190 : vector<16xf32>
        %add3A_470 = arith.addf %add3A_468, %mul3A_469 : vector<16xf32>
        %swap3A_471 = arith.index_cast %add3A_185 : i32 to index
        %swap3A_472 = arith.constant 160 : index
        %swap3A_473 = tpu.vector_load %arg11[%swap3A_471, %swap3A_472] {strides = array<i32>} : memref<16x256xf32, #tpu.memory_space<vmem>>, vector<1x16xf32>,
        %swap3A_474 = vector.shape_cast %swap3A_473 : vector<1x16xf32> to vector<16xf32>
        %swap3A_475 = vector.shape_cast %add3A_470 : vector<16xf32> to vector<1x16xf32>
        tpu.vector_store %arg11[%swap3A_471, %swap3A_472], %swap3A_475 {strides = array<i32>} : memref<16x256xf32, #tpu.memory_space<vmem>>, vector<1x16xf32>,
        %get3A_476 = arith.index_cast %add3A_185 : i32 to index
        %get3A_477 = arith.constant 176 : index
        %get3A_478 = tpu.vector_load %arg9[%get3A_476, %get3A_477] {strides = array<i32>} : memref<48x256xf32, #tpu.memory_space<vmem>>, vector<1x16xf32>,
        %get3A_479 = vector.shape_cast %get3A_478 : vector<1x16xf32> to vector<16xf32>
        %add3A_480 = arith.constant 16 : i32
        %add3A_481 = arith.addi %add3A_480, %add3A_185 : i32
        %get3A_482 = arith.index_cast %add3A_481 : i32 to index
        %get3A_483 = arith.constant 176 : index
        %get3A_484 = tpu.vector_load %arg9[%get3A_482, %get3A_483] {strides = array<i32>} : memref<48x256xf32, #tpu.memory_space<vmem>>, vector<1x16xf32>,
        %get3A_485 = vector.shape_cast %get3A_484 : vector<1x16xf32> to vector<16xf32>
        %add3A_486 = arith.constant 32 : i32
        %add3A_487 = arith.addi %add3A_486, %add3A_185 : i32
        %get3A_488 = arith.index_cast %add3A_487 : i32 to index
        %get3A_489 = arith.constant 176 : index
        %get3A_490 = tpu.vector_load %arg9[%get3A_488, %get3A_489] {strides = array<i32>} : memref<48x256xf32, #tpu.memory_space<vmem>>, vector<1x16xf32>,
        %get3A_491 = vector.shape_cast %get3A_490 : vector<1x16xf32> to vector<16xf32>
        %mul3A_492 = arith.mulf %get3A_479, %gather3A_186 : vector<16xf32>
        %mul3A_493 = arith.mulf %get3A_485, %gather3A_188 : vector<16xf32>
        %add3A_494 = arith.addf %mul3A_492, %mul3A_493 : vector<16xf32>
        %mul3A_495 = arith.mulf %get3A_491, %gather3A_190 : vector<16xf32>
        %add3A_496 = arith.addf %add3A_494, %mul3A_495 : vector<16xf32>
        %swap3A_497 = arith.index_cast %add3A_185 : i32 to index
        %swap3A_498 = arith.constant 176 : index
        %swap3A_499 = tpu.vector_load %arg11[%swap3A_497, %swap3A_498] {strides = array<i32>} : memref<16x256xf32, #tpu.memory_space<vmem>>, vector<1x16xf32>,
        %swap3A_500 = vector.shape_cast %swap3A_499 : vector<1x16xf32> to vector<16xf32>
        %swap3A_501 = vector.shape_cast %add3A_496 : vector<16xf32> to vector<1x16xf32>
        tpu.vector_store %arg11[%swap3A_497, %swap3A_498], %swap3A_501 {strides = array<i32>} : memref<16x256xf32, #tpu.memory_space<vmem>>, vector<1x16xf32>,
        %get3A_502 = arith.index_cast %add3A_185 : i32 to index
        %get3A_503 = arith.constant 192 : index
        %get3A_504 = tpu.vector_load %arg9[%get3A_502, %get3A_503] {strides = array<i32>} : memref<48x256xf32, #tpu.memory_space<vmem>>, vector<1x16xf32>,
        %get3A_505 = vector.shape_cast %get3A_504 : vector<1x16xf32> to vector<16xf32>
        %add3A_506 = arith.constant 16 : i32
        %add3A_507 = arith.addi %add3A_506, %add3A_185 : i32
        %get3A_508 = arith.index_cast %add3A_507 : i32 to index
        %get3A_509 = arith.constant 192 : index
        %get3A_510 = tpu.vector_load %arg9[%get3A_508, %get3A_509] {strides = array<i32>} : memref<48x256xf32, #tpu.memory_space<vmem>>, vector<1x16xf32>,
        %get3A_511 = vector.shape_cast %get3A_510 : vector<1x16xf32> to vector<16xf32>
        %add3A_512 = arith.constant 32 : i32
        %add3A_513 = arith.addi %add3A_512, %add3A_185 : i32
        %get3A_514 = arith.index_cast %add3A_513 : i32 to index
        %get3A_515 = arith.constant 192 : index
        %get3A_516 = tpu.vector_load %arg9[%get3A_514, %get3A_515] {strides = array<i32>} : memref<48x256xf32, #tpu.memory_space<vmem>>, vector<1x16xf32>,
        %get3A_517 = vector.shape_cast %get3A_516 : vector<1x16xf32> to vector<16xf32>
        %mul3A_518 = arith.mulf %get3A_505, %gather3A_186 : vector<16xf32>
        %mul3A_519 = arith.mulf %get3A_511, %gather3A_188 : vector<16xf32>
        %add3A_520 = arith.addf %mul3A_518, %mul3A_519 : vector<16xf32>
        %mul3A_521 = arith.mulf %get3A_517, %gather3A_190 : vector<16xf32>
        %add3A_522 = arith.addf %add3A_520, %mul3A_521 : vector<16xf32>
        %swap3A_523 = arith.index_cast %add3A_185 : i32 to index
        %swap3A_524 = arith.constant 192 : index
        %swap3A_525 = tpu.vector_load %arg11[%swap3A_523, %swap3A_524] {strides = array<i32>} : memref<16x256xf32, #tpu.memory_space<vmem>>, vector<1x16xf32>,
        %swap3A_526 = vector.shape_cast %swap3A_525 : vector<1x16xf32> to vector<16xf32>
        %swap3A_527 = vector.shape_cast %add3A_522 : vector<16xf32> to vector<1x16xf32>
        tpu.vector_store %arg11[%swap3A_523, %swap3A_524], %swap3A_527 {strides = array<i32>} : memref<16x256xf32, #tpu.memory_space<vmem>>, vector<1x16xf32>,
        %get3A_528 = arith.index_cast %add3A_185 : i32 to index
        %get3A_529 = arith.constant 208 : index
        %get3A_530 = tpu.vector_load %arg9[%get3A_528, %get3A_529] {strides = array<i32>} : memref<48x256xf32, #tpu.memory_space<vmem>>, vector<1x16xf32>,
        %get3A_531 = vector.shape_cast %get3A_530 : vector<1x16xf32> to vector<16xf32>
        %add3A_532 = arith.constant 16 : i32
        %add3A_533 = arith.addi %add3A_532, %add3A_185 : i32
        %get3A_534 = arith.index_cast %add3A_533 : i32 to index
        %get3A_535 = arith.constant 208 : index
        %get3A_536 = tpu.vector_load %arg9[%get3A_534, %get3A_535] {strides = array<i32>} : memref<48x256xf32, #tpu.memory_space<vmem>>, vector<1x16xf32>,
        %get3A_537 = vector.shape_cast %get3A_536 : vector<1x16xf32> to vector<16xf32>
        %add3A_538 = arith.constant 32 : i32
        %add3A_539 = arith.addi %add3A_538, %add3A_185 : i32
        %get3A_540 = arith.index_cast %add3A_539 : i32 to index
        %get3A_541 = arith.constant 208 : index
        %get3A_542 = tpu.vector_load %arg9[%get3A_540, %get3A_541] {strides = array<i32>} : memref<48x256xf32, #tpu.memory_space<vmem>>, vector<1x16xf32>,
        %get3A_543 = vector.shape_cast %get3A_542 : vector<1x16xf32> to vector<16xf32>
        %mul3A_544 = arith.mulf %get3A_531, %gather3A_186 : vector<16xf32>
        %mul3A_545 = arith.mulf %get3A_537, %gather3A_188 : vector<16xf32>
        %add3A_546 = arith.addf %mul3A_544, %mul3A_545 : vector<16xf32>
        %mul3A_547 = arith.mulf %get3A_543, %gather3A_190 : vector<16xf32>
        %add3A_548 = arith.addf %add3A_546, %mul3A_547 : vector<16xf32>
        %swap3A_549 = arith.index_cast %add3A_185 : i32 to index
        %swap3A_550 = arith.constant 208 : index
        %swap3A_551 = tpu.vector_load %arg11[%swap3A_549, %swap3A_550] {strides = array<i32>} : memref<16x256xf32, #tpu.memory_space<vmem>>, vector<1x16xf32>,
        %swap3A_552 = vector.shape_cast %swap3A_551 : vector<1x16xf32> to vector<16xf32>
        %swap3A_553 = vector.shape_cast %add3A_548 : vector<16xf32> to vector<1x16xf32>
        tpu.vector_store %arg11[%swap3A_549, %swap3A_550], %swap3A_553 {strides = array<i32>} : memref<16x256xf32, #tpu.memory_space<vmem>>, vector<1x16xf32>,
        %get3A_554 = arith.index_cast %add3A_185 : i32 to index
        %get3A_555 = arith.constant 224 : index
        %get3A_556 = tpu.vector_load %arg9[%get3A_554, %get3A_555] {strides = array<i32>} : memref<48x256xf32, #tpu.memory_space<vmem>>, vector<1x16xf32>,
        %get3A_557 = vector.shape_cast %get3A_556 : vector<1x16xf32> to vector<16xf32>
        %add3A_558 = arith.constant 16 : i32
        %add3A_559 = arith.addi %add3A_558, %add3A_185 : i32
        %get3A_560 = arith.index_cast %add3A_559 : i32 to index
        %get3A_561 = arith.constant 224 : index
        %get3A_562 = tpu.vector_load %arg9[%get3A_560, %get3A_561] {strides = array<i32>} : memref<48x256xf32, #tpu.memory_space<vmem>>, vector<1x16xf32>,
        %get3A_563 = vector.shape_cast %get3A_562 : vector<1x16xf32> to vector<16xf32>
        %add3A_564 = arith.constant 32 : i32
        %add3A_565 = arith.addi %add3A_564, %add3A_185 : i32
        %get3A_566 = arith.index_cast %add3A_565 : i32 to index
        %get3A_567 = arith.constant 224 : index
        %get3A_568 = tpu.vector_load %arg9[%get3A_566, %get3A_567] {strides = array<i32>} : memref<48x256xf32, #tpu.memory_space<vmem>>, vector<1x16xf32>,
        %get3A_569 = vector.shape_cast %get3A_568 : vector<1x16xf32> to vector<16xf32>
        %mul3A_570 = arith.mulf %get3A_557, %gather3A_186 : vector<16xf32>
        %mul3A_571 = arith.mulf %get3A_563, %gather3A_188 : vector<16xf32>
        %add3A_572 = arith.addf %mul3A_570, %mul3A_571 : vector<16xf32>
        %mul3A_573 = arith.mulf %get3A_569, %gather3A_190 : vector<16xf32>
        %add3A_574 = arith.addf %add3A_572, %mul3A_573 : vector<16xf32>
        %swap3A_575 = arith.index_cast %add3A_185 : i32 to index
        %swap3A_576 = arith.constant 224 : index
        %swap3A_577 = tpu.vector_load %arg11[%swap3A_575, %swap3A_576] {strides = array<i32>} : memref<16x256xf32, #tpu.memory_space<vmem>>, vector<1x16xf32>,
        %swap3A_578 = vector.shape_cast %swap3A_577 : vector<1x16xf32> to vector<16xf32>
        %swap3A_579 = vector.shape_cast %add3A_574 : vector<16xf32> to vector<1x16xf32>
        tpu.vector_store %arg11[%swap3A_575, %swap3A_576], %swap3A_579 {strides = array<i32>} : memref<16x256xf32, #tpu.memory_space<vmem>>, vector<1x16xf32>,
        %get3A_580 = arith.index_cast %add3A_185 : i32 to index
        %get3A_581 = arith.constant 240 : index
        %get3A_582 = tpu.vector_load %arg9[%get3A_580, %get3A_581] {strides = array<i32>} : memref<48x256xf32, #tpu.memory_space<vmem>>, vector<1x16xf32>,
        %get3A_583 = vector.shape_cast %get3A_582 : vector<1x16xf32> to vector<16xf32>
        %add3A_584 = arith.constant 16 : i32
        %add3A_585 = arith.addi %add3A_584, %add3A_185 : i32
        %get3A_586 = arith.index_cast %add3A_585 : i32 to index
        %get3A_587 = arith.constant 240 : index
        %get3A_588 = tpu.vector_load %arg9[%get3A_586, %get3A_587] {strides = array<i32>} : memref<48x256xf32, #tpu.memory_space<vmem>>, vector<1x16xf32>,
        %get3A_589 = vector.shape_cast %get3A_588 : vector<1x16xf32> to vector<16xf32>
        %add3A_590 = arith.constant 32 : i32
        %add3A_591 = arith.addi %add3A_590, %add3A_185 : i32
        %get3A_592 = arith.index_cast %add3A_591 : i32 to index
        %get3A_593 = arith.constant 240 : index
        %get3A_594 = tpu.vector_load %arg9[%get3A_592, %get3A_593] {strides = array<i32>} : memref<48x256xf32, #tpu.memory_space<vmem>>, vector<1x16xf32>,
        %get3A_595 = vector.shape_cast %get3A_594 : vector<1x16xf32> to vector<16xf32>
        %mul3A_596 = arith.mulf %get3A_583, %gather3A_186 : vector<16xf32>
        %mul3A_597 = arith.mulf %get3A_589, %gather3A_188 : vector<16xf32>
        %add3A_598 = arith.addf %mul3A_596, %mul3A_597 : vector<16xf32>
        %mul3A_599 = arith.mulf %get3A_595, %gather3A_190 : vector<16xf32>
        %add3A_600 = arith.addf %add3A_598, %mul3A_599 : vector<16xf32>
        %swap3A_601 = arith.index_cast %add3A_185 : i32 to index
        %swap3A_602 = arith.constant 240 : index
        %swap3A_603 = tpu.vector_load %arg11[%swap3A_601, %swap3A_602] {strides = array<i32>} : memref<16x256xf32, #tpu.memory_space<vmem>>, vector<1x16xf32>,
        %swap3A_604 = vector.shape_cast %swap3A_603 : vector<1x16xf32> to vector<16xf32>
        %swap3A_605 = vector.shape_cast %add3A_600 : vector<16xf32> to vector<1x16xf32>
        tpu.vector_store %arg11[%swap3A_601, %swap3A_602], %swap3A_605 {strides = array<i32>} : memref<16x256xf32, #tpu.memory_space<vmem>>, vector<1x16xf32>,
      }
      %scan3A_170 = arith.constant 16 : i32
      %add3A_171 = arith.constant 1 : i32
      %add3A_172 = arith.addi %add3A_58, %add3A_171 : i32
      %mul3A_173 = arith.constant 16 : i32
      %mul3A_174 = arith.muli %add3A_172, %mul3A_173 : i32
      %multiple_of3A_175 = tpu.assume_multiple %mul3A_174, 16 : i32
      %add3A_176 = arith.addi %multiple_of3A, %multiple_of3A_175 : i32
      %dma_start3A_177 = arith.constant 0 : i32
      %dma_start3A_178 = tpu.memref_slice %arg5[%add3A_176, %dma_start3A_177] : memref<32768x256xf32, #tpu.memory_space<hbm>> -> memref<16x256xf32, #tpu.memory_space<hbm>>
      %dma_start3A_179 = arith.constant 0 : i32
      %dma_start3A_180 = tpu.memref_slice %arg5[%add3A_176, %dma_start3A_179] : memref<32768x256xf32, #tpu.memory_space<hbm>> -> memref<16x256xf32, #tpu.memory_space<hbm>>
      tpu.enqueue_dma source(%arg11 : memref<16x256xf32, #tpu.memory_space<vmem>>) target(%dma_start3A_180 : memref<16x256xf32, #tpu.memory_space<hbm>>) target_semaphore(%arg15 : memref<!tpu.dma_semaphore, #tpu.memory_space<semaphore_mem>>)
    }
    %scan3A_46 = arith.constant 32 : i32
    %dma_wait3A = arith.constant 0 : i32
    %dma_wait3A_47 = tpu.memref_slice %arg5[%multiple_of3A, %dma_wait3A] : memref<32768x256xf32, #tpu.memory_space<hbm>> -> memref<16x256xf32, #tpu.memory_space<hbm>>
    %dma_wait3A_48 = arith.constant 0 : i32
    %dma_wait3A_49 = tpu.memref_slice %arg5[%multiple_of3A, %dma_wait3A_48] : memref<32768x256xf32, #tpu.memory_space<hbm>> -> memref<16x256xf32, #tpu.memory_space<hbm>>
    tpu.wait_dma2 semaphore(%arg14 : memref<!tpu.dma_semaphore, #tpu.memory_space<semaphore_mem>>) src(%arg10 : memref<16x256xf32, #tpu.memory_space<vmem>>) dst(%dma_wait3A_49 : memref<16x256xf32, #tpu.memory_space<hbm>>)
    %dma_wait3A_50 = arith.constant 0 : i32
    %dma_wait3A_51 = tpu.memref_slice %arg5[%multiple_of3A, %dma_wait3A_50] : memref<32768x256xf32, #tpu.memory_space<hbm>> -> memref<16x256xf32, #tpu.memory_space<hbm>>
    %dma_wait3A_52 = arith.constant 0 : i32
    %dma_wait3A_53 = tpu.memref_slice %arg5[%multiple_of3A, %dma_wait3A_52] : memref<32768x256xf32, #tpu.memory_space<hbm>> -> memref<16x256xf32, #tpu.memory_space<hbm>>
    tpu.wait_dma2 semaphore(%arg15 : memref<!tpu.dma_semaphore, #tpu.memory_space<semaphore_mem>>) src(%arg11 : memref<16x256xf32, #tpu.memory_space<vmem>>) dst(%dma_wait3A_53 : memref<16x256xf32, #tpu.memory_space<hbm>>)
    return
  }
}

module attributes {stable_mosaic.version = 14 : i64} {
  func.func @_topk_body(%arg0: i32, %arg1: i32, %arg2: memref<1x3x1024xf32, #tpu.memory_space<vmem>>, %arg3: memref<1x2048x3xf32, #tpu.memory_space<vmem>>, %arg4: memref<1x256x1024xf32, #tpu.memory_space<vmem>>, %arg5: memref<3x1024xi32, #tpu.memory_space<vmem>>, %arg6: memref<3x1024xf32, #tpu.memory_space<vmem>>, %arg7: memref<1x1024x256xf32, #tpu.memory_space<vmem>>) attributes {dimension_semantics = [#tpu.dimension_semantics<arbitrary>, #tpu.dimension_semantics<arbitrary>], iteration_bounds = array<i64: 16, 2>, scalar_prefetch = 0 : i64, scratch_operands = 0 : i64, tpu.core_type = #tpu.core_type<tc>, window_params = [{transform_indices = @transform_0, window_bounds = array<i64: 1, 3, 1024>}, {transform_indices = @transform_1, window_bounds = array<i64: 1, 2048, 3>}, {transform_indices = @transform_2, window_bounds = array<i64: 1, 256, 1024>}, {transform_indices = @transform_3, window_bounds = array<i64: 3, 1024>}, {transform_indices = @transform_4, window_bounds = array<i64: 3, 1024>}, {transform_indices = @transform_5, window_bounds = array<i64: 1, 1024, 256>}]} {
    %get3A = arith.constant 0 : index
    %get3A_0 = arith.constant 0 : index
    %get3A_1 = arith.constant 0 : index
    %get3A_2 = vector.load %arg4[%get3A, %get3A_0, %get3A_1] : memref<1x256x1024xf32, #tpu.memory_space<vmem>>, vector<1x256x1024xf32>
    %get3A_3 = vector.shape_cast %get3A_2 : vector<1x256x1024xf32> to vector<256x1024xf32>
    %transpose3A = tpu.transpose %get3A_3, [1, 0] : vector<256x1024xf32> -> vector<1024x256xf32>
    %swap3A = arith.constant 0 : index
    %swap3A_4 = arith.constant 0 : index
    %swap3A_5 = arith.constant 0 : index
    %swap3A_6 = vector.load %arg7[%swap3A, %swap3A_4, %swap3A_5] : memref<1x1024x256xf32, #tpu.memory_space<vmem>>, vector<1x1024x256xf32>
    %swap3A_7 = vector.shape_cast %swap3A_6 : vector<1x1024x256xf32> to vector<1024x256xf32>
    %swap3A_8 = vector.shape_cast %transpose3A : vector<1024x256xf32> to vector<1x1024x256xf32>
    tpu.vector_store %arg7[%swap3A, %swap3A_4, %swap3A_5], %swap3A_8 {strides = array<i32>} : memref<1x1024x256xf32, #tpu.memory_space<vmem>>, vector<1x1024x256xf32>,
    %get3A_9 = arith.constant 0 : index
    %get3A_10 = arith.constant 0 : index
    %get3A_11 = arith.constant 0 : index
    %get3A_12 = vector.load %arg2[%get3A_9, %get3A_10, %get3A_11] : memref<1x3x1024xf32, #tpu.memory_space<vmem>>, vector<1x3x1024xf32>
    %get3A_13 = vector.shape_cast %get3A_12 : vector<1x3x1024xf32> to vector<3x1024xf32>
    %get3A_14 = arith.constant 0 : index
    %get3A_15 = arith.constant 0 : index
    %get3A_16 = arith.constant 0 : index
    %get3A_17 = vector.load %arg3[%get3A_14, %get3A_15, %get3A_16] : memref<1x2048x3xf32, #tpu.memory_space<vmem>>, vector<1x2048x3xf32>
    %get3A_18 = vector.shape_cast %get3A_17 : vector<1x2048x3xf32> to vector<2048x3xf32>
    %convert_element_type3A = arith.truncf %get3A_13 : vector<3x1024xf32> to vector<3x1024xbf16>
    %convert_element_type3A_19 = arith.extf %convert_element_type3A : vector<3x1024xbf16> to vector<3x1024xf32>
    %convert_element_type3A_20 = arith.truncf %get3A_18 : vector<2048x3xf32> to vector<2048x3xbf16>
    %convert_element_type3A_21 = arith.extf %convert_element_type3A_20 : vector<2048x3xbf16> to vector<2048x3xf32>
    %slice3A = vector.extract_strided_slice %get3A_13 {offsets = [0, 0], sizes = [1, 1024], strides = [1, 1]} : vector<3x1024xf32> to vector<1x1024xf32>
    %slice3A_22 = vector.extract_strided_slice %get3A_13 {offsets = [0, 0], sizes = [1, 1024], strides = [1, 1]} : vector<3x1024xf32> to vector<1x1024xf32>
    %mul3A = arith.mulf %slice3A, %slice3A_22 : vector<1x1024xf32>
    %slice3A_23 = vector.extract_strided_slice %get3A_13 {offsets = [1, 0], sizes = [1, 1024], strides = [1, 1]} : vector<3x1024xf32> to vector<1x1024xf32>
    %slice3A_24 = vector.extract_strided_slice %get3A_13 {offsets = [1, 0], sizes = [1, 1024], strides = [1, 1]} : vector<3x1024xf32> to vector<1x1024xf32>
    %mul3A_25 = arith.mulf %slice3A_23, %slice3A_24 : vector<1x1024xf32>
    %add3A = arith.addf %mul3A, %mul3A_25 : vector<1x1024xf32>
    %slice3A_26 = vector.extract_strided_slice %get3A_13 {offsets = [2, 0], sizes = [1, 1024], strides = [1, 1]} : vector<3x1024xf32> to vector<1x1024xf32>
    %slice3A_27 = vector.extract_strided_slice %get3A_13 {offsets = [2, 0], sizes = [1, 1024], strides = [1, 1]} : vector<3x1024xf32> to vector<1x1024xf32>
    %mul3A_28 = arith.mulf %slice3A_26, %slice3A_27 : vector<1x1024xf32>
    %add3A_29 = arith.addf %add3A, %mul3A_28 : vector<1x1024xf32>
    %slice3A_30 = vector.extract_strided_slice %get3A_18 {offsets = [0, 0], sizes = [2048, 1], strides = [1, 1]} : vector<2048x3xf32> to vector<2048x1xf32>
    %slice3A_31 = vector.extract_strided_slice %get3A_18 {offsets = [0, 0], sizes = [2048, 1], strides = [1, 1]} : vector<2048x3xf32> to vector<2048x1xf32>
    %mul3A_32 = arith.mulf %slice3A_30, %slice3A_31 : vector<2048x1xf32>
    %slice3A_33 = vector.extract_strided_slice %get3A_18 {offsets = [0, 1], sizes = [2048, 1], strides = [1, 1]} : vector<2048x3xf32> to vector<2048x1xf32>
    %slice3A_34 = vector.extract_strided_slice %get3A_18 {offsets = [0, 1], sizes = [2048, 1], strides = [1, 1]} : vector<2048x3xf32> to vector<2048x1xf32>
    %mul3A_35 = arith.mulf %slice3A_33, %slice3A_34 : vector<2048x1xf32>
    %add3A_36 = arith.addf %mul3A_32, %mul3A_35 : vector<2048x1xf32>
    %slice3A_37 = vector.extract_strided_slice %get3A_18 {offsets = [0, 2], sizes = [2048, 1], strides = [1, 1]} : vector<2048x3xf32> to vector<2048x1xf32>
    %slice3A_38 = vector.extract_strided_slice %get3A_18 {offsets = [0, 2], sizes = [2048, 1], strides = [1, 1]} : vector<2048x3xf32> to vector<2048x1xf32>
    %mul3A_39 = arith.mulf %slice3A_37, %slice3A_38 : vector<2048x1xf32>
    %add3A_40 = arith.addf %add3A_36, %mul3A_39 : vector<2048x1xf32>
    %slice3A_41 = vector.extract_strided_slice %convert_element_type3A_21 {offsets = [0, 0], sizes = [2048, 1], strides = [1, 1]} : vector<2048x3xf32> to vector<2048x1xf32>
    %slice3A_42 = vector.extract_strided_slice %convert_element_type3A_19 {offsets = [0, 0], sizes = [1, 1024], strides = [1, 1]} : vector<3x1024xf32> to vector<1x1024xf32>
    %mul3A_43 = vector.broadcast %slice3A_41 : vector<2048x1xf32> to vector<2048x1024xf32>
    %mul3A_44 = vector.broadcast %slice3A_42 : vector<1x1024xf32> to vector<2048x1024xf32>
    %mul3A_45 = arith.mulf %mul3A_43, %mul3A_44 : vector<2048x1024xf32>
    %slice3A_46 = vector.extract_strided_slice %convert_element_type3A_21 {offsets = [0, 1], sizes = [2048, 1], strides = [1, 1]} : vector<2048x3xf32> to vector<2048x1xf32>
    %slice3A_47 = vector.extract_strided_slice %convert_element_type3A_19 {offsets = [1, 0], sizes = [1, 1024], strides = [1, 1]} : vector<3x1024xf32> to vector<1x1024xf32>
    %mul3A_48 = vector.broadcast %slice3A_46 : vector<2048x1xf32> to vector<2048x1024xf32>
    %mul3A_49 = vector.broadcast %slice3A_47 : vector<1x1024xf32> to vector<2048x1024xf32>
    %mul3A_50 = arith.mulf %mul3A_48, %mul3A_49 : vector<2048x1024xf32>
    %add3A_51 = arith.addf %mul3A_45, %mul3A_50 : vector<2048x1024xf32>
    %slice3A_52 = vector.extract_strided_slice %convert_element_type3A_21 {offsets = [0, 2], sizes = [2048, 1], strides = [1, 1]} : vector<2048x3xf32> to vector<2048x1xf32>
    %slice3A_53 = vector.extract_strided_slice %convert_element_type3A_19 {offsets = [2, 0], sizes = [1, 1024], strides = [1, 1]} : vector<3x1024xf32> to vector<1x1024xf32>
    %mul3A_54 = vector.broadcast %slice3A_52 : vector<2048x1xf32> to vector<2048x1024xf32>
    %mul3A_55 = vector.broadcast %slice3A_53 : vector<1x1024xf32> to vector<2048x1024xf32>
    %mul3A_56 = arith.mulf %mul3A_54, %mul3A_55 : vector<2048x1024xf32>
    %add3A_57 = arith.addf %add3A_51, %mul3A_56 : vector<2048x1024xf32>
    %add3A_58 = vector.broadcast %add3A_29 : vector<1x1024xf32> to vector<2048x1024xf32>
    %add3A_59 = vector.broadcast %add3A_40 : vector<2048x1xf32> to vector<2048x1024xf32>
    %add3A_60 = arith.addf %add3A_58, %add3A_59 : vector<2048x1024xf32>
    %mul3A_61 = arith.constant 2.000000e+00 : f32
    %mul3A_62 = vector.broadcast %mul3A_61 : f32 to vector<2048x1024xf32>
    %mul3A_63 = arith.mulf %mul3A_62, %add3A_57 : vector<2048x1024xf32>
    %sub3A = arith.subf %add3A_60, %mul3A_63 : vector<2048x1024xf32>
    %max3A = arith.constant 9.99999996E-13 : f32
    %max3A_64 = vector.broadcast %max3A : f32 to vector<2048x1024xf32>
    %max3A_65 = arith.maximumf %sub3A, %max3A_64 : vector<2048x1024xf32>
    %iota3A = tpu.iota {dimensions = array<i32: 0>} : vector<2048x1024xi32>
    %reduce_min3A = arith.constant dense<0x7F800000> : vector<1024xf32>
    %reduce_min3A_66 = vector.multi_reduction <minimumf>, %max3A_65, %reduce_min3A [0] : vector<2048x1024xf32> to vector<1024xf32>
    %broadcast_in_dim3A = vector.shape_cast %reduce_min3A_66 : vector<1024xf32> to vector<1x1024xf32>
    %eq3A = vector.broadcast %broadcast_in_dim3A : vector<1x1024xf32> to vector<2048x1024xf32>
    %eq3A_67 = arith.cmpf oeq, %max3A_65, %eq3A : vector<2048x1024xf32>
    %jit3A = arith.constant 2048 : i32
    %broadcast_in_dim3A_68 = vector.broadcast %jit3A : i32 to vector<2048x1024xi32>
    %select_n3A = arith.select %eq3A_67, %iota3A, %broadcast_in_dim3A_68 : vector<2048x1024xi1>, vector<2048x1024xi32>
    %reduce_min3A_69 = arith.constant dense<2147483647> : vector<1024xi32>
    %reduce_min3A_70 = vector.multi_reduction <minsi>, %select_n3A, %reduce_min3A_69 [0] : vector<2048x1024xi32> to vector<1024xi32>
    %broadcast_in_dim3A_71 = vector.shape_cast %reduce_min3A_70 : vector<1024xi32> to vector<1x1024xi32>
    %eq3A_72 = vector.broadcast %broadcast_in_dim3A_71 : vector<1x1024xi32> to vector<2048x1024xi32>
    %eq3A_73 = arith.cmpi eq, %iota3A, %eq3A_72 : vector<2048x1024xi32>
    %jit3A_74 = arith.constant 3.000000e+38 : f32
    %broadcast_in_dim3A_75 = vector.broadcast %jit3A_74 : f32 to vector<2048x1024xf32>
    %select_n3A_76 = arith.select %eq3A_73, %broadcast_in_dim3A_75, %max3A_65 : vector<2048x1024xi1>, vector<2048x1024xf32>
    %reduce_min3A_77 = arith.constant dense<0x7F800000> : vector<1024xf32>
    %reduce_min3A_78 = vector.multi_reduction <minimumf>, %select_n3A_76, %reduce_min3A_77 [0] : vector<2048x1024xf32> to vector<1024xf32>
    %broadcast_in_dim3A_79 = vector.shape_cast %reduce_min3A_78 : vector<1024xf32> to vector<1x1024xf32>
    %eq3A_80 = vector.broadcast %broadcast_in_dim3A_79 : vector<1x1024xf32> to vector<2048x1024xf32>
    %eq3A_81 = arith.cmpf oeq, %select_n3A_76, %eq3A_80 : vector<2048x1024xf32>
    %jit3A_82 = arith.constant 2048 : i32
    %broadcast_in_dim3A_83 = vector.broadcast %jit3A_82 : i32 to vector<2048x1024xi32>
    %select_n3A_84 = arith.select %eq3A_81, %iota3A, %broadcast_in_dim3A_83 : vector<2048x1024xi1>, vector<2048x1024xi32>
    %reduce_min3A_85 = arith.constant dense<2147483647> : vector<1024xi32>
    %reduce_min3A_86 = vector.multi_reduction <minsi>, %select_n3A_84, %reduce_min3A_85 [0] : vector<2048x1024xi32> to vector<1024xi32>
    %broadcast_in_dim3A_87 = vector.shape_cast %reduce_min3A_86 : vector<1024xi32> to vector<1x1024xi32>
    %eq3A_88 = vector.broadcast %broadcast_in_dim3A_87 : vector<1x1024xi32> to vector<2048x1024xi32>
    %eq3A_89 = arith.cmpi eq, %iota3A, %eq3A_88 : vector<2048x1024xi32>
    %jit3A_90 = arith.constant 3.000000e+38 : f32
    %broadcast_in_dim3A_91 = vector.broadcast %jit3A_90 : f32 to vector<2048x1024xf32>
    %select_n3A_92 = arith.select %eq3A_89, %broadcast_in_dim3A_91, %select_n3A_76 : vector<2048x1024xi1>, vector<2048x1024xf32>
    %reduce_min3A_93 = arith.constant dense<0x7F800000> : vector<1024xf32>
    %reduce_min3A_94 = vector.multi_reduction <minimumf>, %select_n3A_92, %reduce_min3A_93 [0] : vector<2048x1024xf32> to vector<1024xf32>
    %broadcast_in_dim3A_95 = vector.shape_cast %reduce_min3A_94 : vector<1024xf32> to vector<1x1024xf32>
    %eq3A_96 = vector.broadcast %broadcast_in_dim3A_95 : vector<1x1024xf32> to vector<2048x1024xf32>
    %eq3A_97 = arith.cmpf oeq, %select_n3A_92, %eq3A_96 : vector<2048x1024xf32>
    %jit3A_98 = arith.constant 2048 : i32
    %broadcast_in_dim3A_99 = vector.broadcast %jit3A_98 : i32 to vector<2048x1024xi32>
    %select_n3A_100 = arith.select %eq3A_97, %iota3A, %broadcast_in_dim3A_99 : vector<2048x1024xi1>, vector<2048x1024xi32>
    %reduce_min3A_101 = arith.constant dense<2147483647> : vector<1024xi32>
    %reduce_min3A_102 = vector.multi_reduction <minsi>, %select_n3A_100, %reduce_min3A_101 [0] : vector<2048x1024xi32> to vector<1024xi32>
    %broadcast_in_dim3A_103 = vector.shape_cast %reduce_min3A_102 : vector<1024xi32> to vector<1x1024xi32>
    %concatenate3A = tpu.concatenate %broadcast_in_dim3A, %broadcast_in_dim3A_79, %broadcast_in_dim3A_95 in 0 : vector<1x1024xf32>, vector<1x1024xf32>, vector<1x1024xf32> -> vector<3x1024xf32>
    %sqrt3A = math.sqrt %concatenate3A : vector<3x1024xf32>
    %max3A_104 = arith.constant 9.99999993E-9 : f32
    %max3A_105 = vector.broadcast %max3A_104 : f32 to vector<3x1024xf32>
    %max3A_106 = arith.maximumf %sqrt3A, %max3A_105 : vector<3x1024xf32>
    %div3A = arith.constant 1.000000e+00 : f32
    %div3A_107 = vector.broadcast %div3A : f32 to vector<3x1024xf32>
    %div3A_108 = arith.divf %div3A_107, %max3A_106 : vector<3x1024xf32>
    %reduce_sum3A = arith.constant dense<0.000000e+00> : vector<1024xf32>
    %reduce_sum3A_109 = vector.multi_reduction <add>, %div3A_108, %reduce_sum3A [0] : vector<3x1024xf32> to vector<1024xf32>
    %broadcast_in_dim3A_110 = vector.shape_cast %reduce_sum3A_109 : vector<1024xf32> to vector<1x1024xf32>
    %div3A_111 = vector.broadcast %broadcast_in_dim3A_110 : vector<1x1024xf32> to vector<3x1024xf32>
    %div3A_112 = arith.divf %div3A_108, %div3A_111 : vector<3x1024xf32>
    %concatenate3A_113 = tpu.concatenate %broadcast_in_dim3A_71, %broadcast_in_dim3A_87, %broadcast_in_dim3A_103 in 0 : vector<1x1024xi32>, vector<1x1024xi32>, vector<1x1024xi32> -> vector<3x1024xi32>
    %mul3A_114 = arith.constant 2048 : i32
    %mul3A_115 = arith.muli %arg0, %mul3A_114 : i32
    %add3A_116 = vector.broadcast %mul3A_115 : i32 to vector<3x1024xi32>
    %add3A_117 = arith.addi %concatenate3A_113, %add3A_116 : vector<3x1024xi32>
    %swap3A_118 = arith.constant 0 : index
    %swap3A_119 = arith.constant 0 : index
    %swap3A_120 = vector.load %arg5[%swap3A_118, %swap3A_119] : memref<3x1024xi32, #tpu.memory_space<vmem>>, vector<3x1024xi32>
    tpu.vector_store %arg5[%swap3A_118, %swap3A_119], %add3A_117 {strides = array<i32>} : memref<3x1024xi32, #tpu.memory_space<vmem>>, vector<3x1024xi32>,
    %swap3A_121 = arith.constant 0 : index
    %swap3A_122 = arith.constant 0 : index
    %swap3A_123 = vector.load %arg6[%swap3A_121, %swap3A_122] : memref<3x1024xf32, #tpu.memory_space<vmem>>, vector<3x1024xf32>
    tpu.vector_store %arg6[%swap3A_121, %swap3A_122], %div3A_112 {strides = array<i32>} : memref<3x1024xf32, #tpu.memory_space<vmem>>, vector<3x1024xf32>,
    return
  }
  func.func @transform_0(%arg0: i32, %arg1: i32) -> (i32, i32, i32) {
    %c0_i32 = arith.constant 0 : i32
    %c0_i32_0 = arith.constant 0 : i32
    return %arg0, %c0_i32, %arg1 : i32, i32, i32
  }
  func.func @transform_1(%arg0: i32, %arg1: i32) -> (i32, i32, i32) {
    %c0_i32 = arith.constant 0 : i32
    %c0_i32_0 = arith.constant 0 : i32
    %c0_i32_1 = arith.constant 0 : i32
    return %arg0, %c0_i32, %c0_i32_0 : i32, i32, i32
  }
  func.func @transform_2(%arg0: i32, %arg1: i32) -> (i32, i32, i32) {
    %c0_i32 = arith.constant 0 : i32
    %c0_i32_0 = arith.constant 0 : i32
    return %arg0, %c0_i32, %arg1 : i32, i32, i32
  }
  func.func @transform_3(%arg0: i32, %arg1: i32) -> (i32, i32) {
    %mul3A = arith.constant 2 : i32
    %mul3A_0 = arith.muli %arg0, %mul3A : i32
    %add3A = arith.addi %mul3A_0, %arg1 : i32
    %c0_i32 = arith.constant 0 : i32
    %c0_i32_1 = arith.constant 0 : i32
    return %c0_i32, %add3A : i32, i32
  }
  func.func @transform_4(%arg0: i32, %arg1: i32) -> (i32, i32) {
    %mul3A = arith.constant 2 : i32
    %mul3A_0 = arith.muli %arg0, %mul3A : i32
    %add3A = arith.addi %mul3A_0, %arg1 : i32
    %c0_i32 = arith.constant 0 : i32
    %c0_i32_1 = arith.constant 0 : i32
    return %c0_i32, %add3A : i32, i32
  }
  func.func @transform_5(%arg0: i32, %arg1: i32) -> (i32, i32, i32) {
    %c0_i32 = arith.constant 0 : i32
    %c0_i32_0 = arith.constant 0 : i32
    return %arg0, %arg1, %c0_i32 : i32, i32, i32
  }
}

</mosaic_0001>

<sc_bundles>
// kernel: kernel.4.cloned.1.call-start
scs
__scs_entry_jumppad:
0x0: {  	(pc) =	sbr.rel $0x88, $3  }
0x1: {  	(tag) =	ssettag $0x0;
	lr =	simm.s32 $0x1  }
0x2: {  	[smem:$0x3F9F] =	sst lr;
	_ =	strace $0xD0000000  }
0x3: {  	_ = 	snop  }
0x4: {  	_ = 	snop  }
0x5: {  	_ = 	snop  }
0x6: {  	_ = 	snop  }
0x7: {  	_ = 	snop  }
__scs_overlays_trampoline_lowered:
0x8: {  	[smem:$0x3FAE] =	sst s0  }
0x9: {  	[smem:$0x3FAF] =	sst s1  }
0xa: {  	[smem:$0x3FB0] =	sst s2  }
0xb: {  	[smem:$0x3FB1] =	sst s3  }
0xc: {  	[smem:$0x3FB2] =	sst s4  }
0xd: {  	[smem:$0x3FB3] =	sst s5  }
0xe: {  	[smem:$0x3FB4] =	sst s6  }
0xf: {  	[smem:$0x3FB5] =	sst s7  }
0x10: {  	[smem:$0x3FB6] =	sst s8  }
0x11: {  	[smem:$0x3FB7] =	sst s9;
	s0 =	simm.s32 @!p0 $0x0  }
0x12: {  	s1 =	sld [smem:$0x3F9D];
	s0 =	simm.s32 @p0 $0x1  }
0x13: {  	[smem:$0x3FB8] =	sst s0;
	s0 =	simm.s32 @!p1 $0x0  }
0x14: {  	s2 =	sld [smem:$0x3F9C];
	s0 =	simm.s32 @p1 $0x1  }
0x15: {  	[smem:$0x3FB9] =	sst s0;
	s0 =	simm.s32 @!p2 $0x0  }
0x16: {  	s3 =	sld [smem:$0x3FDB];
	s0 =	simm.s32 @p2 $0x1  }
0x17: {  	s4 =	simm.s32 $0x1BF5;
	[smem:$0x3FBB] =	sst s0  }
0x18: {  	s0 =	sld [smem:$0x3F9E];
	_ =	swait.ge [sflag:s4], $0x0  }
0x19: {  	s7 =	sld [smem:$0x3F9F]  }
0x1a: {  	s8 =	sadd.s32 $0xFFFFE003, lr  }
0x1b: {  	s9 =	sadd.s32 $0xFFFFFEF7, lr;
	s5 =	simm.s32 $0xFFFFFFFF;
	p2 =	slt.u32 s8, $0xFFFFF086  }
0x1c: {  	p1 =	slt.u32 s9, $0xF7A;
	s5 =	simm.s32 @!p2 $0x0  }
0x1d: {  	s5 =	simm.s32 @p1 $0x1;
	p0 =	seq.s32 s7, s2  }
0x1e: {  	s7 =	smul.u32 @!p0 $0xF7A, s2;
	p2 =	seq.s32 @!p0 s5, $0x0  }
0x1f: {  	s9 =	smul.u32 $0xF7A, s1;
	s8 =	simm.s32 @!p0 $0x1BF5;
	p2 =	por !p2, p0  }
0x20: {  	[sflag:s8] =	ssyncset.s32 @!p0 $0xFFFFF086;
	s6 =	sadd.s32 @!p0 s3, s7;
	s7 =	simm.s32 @!p0 $0x108  }
0x21: {  	s3 =	sadd.s32 s3, s9;
	s6 =	sadd.s32 @!p0 $0x88, s6;
	s7 =	simm.s32 @p2 $0x1082  }
0x22: {  	[simem:s7], [sflag:s8] =	dma.local @!p0 [hbm:s6], $0xF7A  }
0x23: {  	s9 =	sor.u32 $0xD0000000, s2;
	s6 =	simm.s32 $0x108;
	_ =	swait.ge @!p0 [sflag:s8], $0x0  }
0x24: {  	s3 =	sadd.s32 $0x88, s3;
	s6 =	simm.s32 @!p1 $0x1082;
	[sflag:s4] =	ssyncset.s32 $0xFFFFF086  }
0x25: {  	[simem:s6], [sflag:s4] =	dma.local [hbm:s3], $0xF7A  }
0x26: {  	[smem:$0x3F9F] =	sst s1;
	(tag) =	ssettag s2;
	_ =	strace s9  }
0x27: {  	s1 =	sld [smem:$0x3FAF]  }
0x28: {  	s2 =	sld [smem:$0x3FB0]  }
0x29: {  	s4 =	sld [smem:$0x3FB2]  }
0x2a: {  	p0 =	seq.s32 s5, $0x0;
	s5 =	sld [smem:$0x3FB3]  }
0x2b: {  	s6 =	sld [smem:$0x3FB4]  }
0x2c: {  	s7 =	sld [smem:$0x3FB5]  }
0x2d: {  	s3 =	simm.s32 $0x108;
	s8 =	sld [smem:$0x3FB6]  }
0x2e: {  	s3 =	simm.s32 @!p0 $0x1082;
	s9 =	sld [smem:$0x3FB7]  }
0x2f: {  	lr =	sadd.s32 s0, s3;
	s0 =	sld [smem:$0x3FAE]  }
0x30: {  	s3 =	sld [smem:$0x3FB1]  }
0x31: {  	[smem:$0x3FBA] =	sst s10  }
0x32: {  	s10 =	sld [smem:$0x3FB8];
	_ =	sdelay $0x3  }
0x33: {  	p0 =	seq.s32 s10, $0x1;
	s10 =	sld [smem:$0x3FBA];
	_ =	sdelay $0x3  }
0x34: {  	[smem:$0x3FBA] =	sst s10  }
0x35: {  	s10 =	sld [smem:$0x3FB9];
	_ =	sdelay $0x3  }
0x36: {  	p1 =	seq.s32 s10, $0x1;
	s10 =	sld [smem:$0x3FBA];
	_ =	sdelay $0x3  }
0x37: {  	[smem:$0x3FBA] =	sst s10  }
0x38: {  	s10 =	sld [smem:$0x3FBB]  }
0x39: {  	_ = 	snop;
	(pc) =	sbr.ind lr, $3  }
0x3a: {  	_ = 	snop  }
0x3b: {  	_ = 	snop  }
0x3c: {  	p2 =	seq.s32 s10, $0x1;
	s10 =	sld [smem:$0x3FBA]  }
0x3d: {  	_ =	shalt  }
0x3e: {  	_ =	shalt  }
0x3f: {  	_ =	shalt  }
0x40: {  	_ =	shalt  }
0x41: {  	_ =	shalt  }
0x42: {  	_ =	shalt  }
0x43: {  	_ =	shalt  }
0x44: {  	_ =	shalt  }
0x45: {  	_ =	shalt  }
0x46: {  	_ =	shalt  }
0x47: {  	_ =	shalt  }
0x48: {  	_ =	shalt  }
0x49: {  	_ =	shalt  }
0x4a: {  	_ =	shalt  }
0x4b: {  	_ =	shalt  }
0x4c: {  	_ =	shalt  }
0x4d: {  	_ =	shalt  }
0x4e: {  	_ =	shalt  }
0x4f: {  	_ =	shalt  }
0x50: {  	_ =	shalt  }
0x51: {  	_ =	shalt  }
0x52: {  	_ =	shalt  }
0x53: {  	_ =	shalt  }
0x54: {  	_ =	shalt  }
0x55: {  	_ =	shalt  }
0x56: {  	_ =	shalt  }
0x57: {  	_ =	shalt  }
0x58: {  	_ =	shalt  }
0x59: {  	_ =	shalt  }
0x5a: {  	_ =	shalt  }
0x5b: {  	_ =	shalt  }
0x5c: {  	_ =	shalt  }
0x5d: {  	_ =	shalt  }
0x5e: {  	_ =	shalt  }
0x5f: {  	_ =	shalt  }
0x60: {  	_ =	shalt  }
0x61: {  	_ =	shalt  }
0x62: {  	_ =	shalt  }
0x63: {  	_ =	shalt  }
0x64: {  	_ =	shalt  }
0x65: {  	_ =	shalt  }
0x66: {  	_ =	shalt  }
0x67: {  	_ =	shalt  }
0x68: {  	_ =	shalt  }
0x69: {  	_ =	shalt  }
0x6a: {  	_ =	shalt  }
0x6b: {  	_ =	shalt  }
0x6c: {  	_ =	shalt  }
0x6d: {  	_ =	shalt  }
0x6e: {  	_ =	shalt  }
0x6f: {  	_ =	shalt  }
0x70: {  	_ =	shalt  }
0x71: {  	_ =	shalt  }
0x72: {  	_ =	shalt  }
0x73: {  	_ =	shalt  }
0x74: {  	_ =	shalt  }
0x75: {  	_ =	shalt  }
0x76: {  	_ =	shalt  }
0x77: {  	_ =	shalt  }
0x78: {  	_ =	shalt  }
0x79: {  	_ =	shalt  }
0x7a: {  	_ =	shalt  }
0x7b: {  	_ =	shalt  }
0x7c: {  	_ =	shalt  }
0x7d: {  	_ =	shalt  }
0x7e: {  	_ =	shalt  }
0x7f: {  	_ =	shalt  }
0x80: {  	_ =	shalt  }
0x81: {  	_ =	shalt  }
0x82: {  	_ =	shalt  }
0x83: {  	_ =	shalt  }
0x84: {  	_ =	shalt  }
0x85: {  	_ =	shalt  }
0x86: {  	_ =	shalt  }
0x87: {  	_ =	shalt  }
.Lfunc_end0:
.L_simem_size_0:
called_computation_lowered:
.L_overlay_start_0:
0x88: {  	s2 =	sld [smem:$0x3FD9]  }
0x89: {  	s3 =	sld [smem:$0x3FFE];
	_ =	sdelay $0x1  }
0x8a: {  	s1 =	srdreg.scid  }
0x8b: {  	s0 =	sand.u32 $0x1, s1  }
0x8c: {  	s17 =	sshll.u32 s0, $0xA;
	s2 =	sadd.s32 s3, s2  }
0x8d: {  	s2 =	sadd.s32 s2, s17  }
0x8e: {  	[smem:$0x3FC6] =	sst s2  }
0x8f: {  	_ = 	snop  }
0x90: {  	s2 =	sld [smem:$0x3FD0];
	(tm) =	ssettm $0x1  }
0x91: {  	s18 =	sld [smem:$0x3FFB];
	_ =	sdelay $0x3  }
0x92: {  	_ =	strace s18  }
0x93: {  	s3 =	sld [smem:$0x3FFC];
	_ =	sdelay $0x3  }
0x94: {  	_ =	strace s3  }
0x95: {  	s3 =	sld [smem:$0x3FFD];
	_ =	sdelay $0x3  }
0x96: {  	_ =	strace s3  }
0x97: {  	_ =	strace $0x8FFFFFFF  }
0x98: {  	s19 =	sld [smem:$0x3FDB];
	_ =	sdelay $0x1  }
0x99: {  	s4 =	simm.s32 $_scs_section_size  }
0x9a: {  	s5 =	simm.s32 $_size__tile_overlayer_lowered;
	s6 =	simm.s32 $_tile_overlayer_lowered  }
0x9b: {  	s22 =	simm.s32 $0x1BFF;
	s21 =	sshll.u32 s6, $0x1;
	s3 =	sadd.s32 s4, s19  }
0x9c: {  	s7 =	simm.s32 $0x0;
	s20 =	sshll.u32 s5, $0x1;
	s5 =	sadd.s32 s21, s3  }
0x9d: {  	[timem:s7], [sflag:s22] =	dma.local [hbm:s5], s20  }
0x9e: {  	_ =	swait.ge [sflag:s22], s20  }
0x9f: {  	s4 =	ssub.s32 $0x0, s20;
	[sflag:s22] =	ssyncset.done $0x0  }
0xa0: {  	[sflag:s22] =	ssyncadd.s32 s4;
	_ =	sdelay $0x1  }
0xa1: {  	s23 =	simm.s32 $0x1B8B  }
0xa2: {  	_ =	swait.ge [sflag:s23], $0x1  }
0xa3: {  	[sflag:s23] =	ssyncset.done $0x0  }
0xa4: {  	s25 =	simm.s32 $0x1B8E;
	s24 =	sld [smem:$0x3FFE];
	[sflag:s23] =	ssyncadd.s32 $0xFFFFFFFF  }
0xa5: {  	s26 =	simm.s32 $execute0_lowered;
	[smem:$0x3FD2] =	sst s25  }
0xa6: {  	s5 =	sshll.u32 s26, $0x1;
	_ =	strace $0x80000046;
	[dreg:$0x1] =	wrdreg $0xFFFFFFFF  }
0xa7: {  	s28 =	simm.s32 $_size_execute0_lowered;
	s3 =	sadd.s32 s3, s5;
	[dreg:$0x0] =	wrdreg $0x0  }
0xa8: {  	s5 =	sshll.u32 s28, $0x1;
	[dreg:$0x2] =	wrdreg s3  }
0xa9: {  	[dreg:$0x3] =	wrdreg s5  }
0xaa: {  	[dreg:$0x4] =	wrdreg $0xC0  }
0xab: {  	_ =	task [dreg:s7], $0x5FFFF  }
0xac: {  	[dreg:$0x1] =	wrdreg $0xFFFFFFFF  }
0xad: {  	[dreg:$0x0] =	wrdreg $0x60  }
0xae: {  	[dreg:$0x2] =	wrdreg s24  }
0xaf: {  	[dreg:$0x3] =	wrdreg s2  }
0xb0: {  	[dreg:$0x4] =	wrdreg $0x9  }
0xb1: {  	_ =	task.clear_ibuf [dreg:s7], $0x5FFFF;
	_ =	strace $0x90000046  }
0xb2: {  	s29 =	simm.s32 $0x9;
	_ =	strace $0x80000048  }
0xb3: {  	_ =	swait.ge [sflag:s29], $0x1  }
0xb4: {  	[sflag:s29] =	ssyncadd.s32 $0xFFFFFFFF  }
0xb5: {  	_ =	strace $0x90000048  }
0xb6: {  	_ =	sfence  }
0xb7: {  	s30 =	sld [smem:$0x0];
	_ =	sdelay $0x2  }
0xb8: {  	s31 =	sshll.u32 s1, $0xD;
	s1 =	sshrl.u32 s1, $0x2  }
0xb9: {  	s3 =	sand.u32 $0x4000, s31;
	s1 =	sadd.s32 s1, s30  }
0xba: {  	s0 =	sor.u32 s3, s0;
	s1 =	sshll.u32 s1, $0x11  }
0xbb: {  	s0 =	sor.u32 s1, s0  }
0xbc: {  	s0 =	sadd.s32 $0x8F2B, s0  }
0xbd: {  	[sflag:s0] =	ssyncadd.remote.s32 $0x1  }
0xbe: {  	_ =	sfence.sel $0xFFFF  }
0xbf: {  	[dreg:$0x0] =	wrdreg $0xFFFFFFFF;
	(pc) =	sbr.abs _section_cstart, $3  }
0xc0: {  	[dreg:$0x1] =	wrdreg $0xFFFFFFFF  }
0xc1: {  	_ =	task.clear_ibuf [dreg:s7], $0x2FFFF;
	_ =	strace $0x9FFFFFFF  }
0xc2: {  	(tm) =	ssettm $0x7FFFFFFF  }
0xc3: {  	_ =	shalt  }
tec
execute0_lowered:
.L_overlay_start_1:
0x0: {  	(tag) =	ssettag $0x1  }
0x1: {  	s0 =	rddreg [dreg:$0x0]  }
0x2: {  	s1 =	rddreg [dreg:$0x1]  }
0x3: {  	s3 =	simm.s32 $0x0;
	s2 =	srdreg.scid;
	s4 =	stileid.u32  }
0x4: {  	s13 =	simm.s32 $0x5;
	s28 =	simm.s32 $0x5000;
	s29 =	simm.s32 $0x5800  }
0x5: {  	s30 =	simm.s32 $0x6000;
	s31 =	simm.s32 $0x6800;
	s14 =	simm.s32 $0x2  }
0x6: {  	s15 =	simm.s32 $0x8800;
	s17 =	simm.s32 $0x4;
	s2 =	sand.u32 $0x1, s2  }
0x7: {  	[smem:$0x7FF] =	sst s3;
	s5 =	sshll.u32 s4, $0xB;
	s6 =	sshll.u32 s2, $0xA  }
0x8: {  	s4 =	sadd.s32 $0x800, s0;
	s22 =	sadd.s32 $0x100800, s0;
	s5 =	sor.u32 s6, s5  }
0x9: {  	s0 =	sadd.s32 $0x103800, s0;
	s2 =	ssub.s32 $0x2, s2;
	s8 =	sshrl.u32 s5, $0x3  }
0xa: {  	_ =	strace $0x80000047;
	s7 =	sshrl.u32 s2, $0x1;
	s23 =	sadd.s32 s22, s8  }
0xb: {  	s2 =	ssub.s32 s2, s7;
	s24 =	sadd.s32 s0, s8;
	[dreg:$0x3] =	wrdreg s23  }
0xc: {  	s25 =	sor.u32 $0x1000, s8;
	s26 =	smax.u32 s2, $0x1;
	[dreg:$0x4] =	wrdreg s24  }
0xd: {  	s18 =	simm.s32 $0x0;
	s9 =	sadd.s32 s22, s25;
	[dreg:$0x9] =	wrdreg s26  }
0xe: {  	s8 =	sor.u32 $0x2000, s8;
	s7 =	sadd.s32 s0, s25;
	[dreg:$0x5] =	wrdreg s9  }
0xf: {  	v2 =	vlaneseq.u32;
	s2 =	simm.s32 $0x7800;
	s6 =	sadd.s32 s22, s8;
	[dreg:$0x6] =	wrdreg s7  }
0x10: {  	vm0 =	vmmov $0xffff;
	v1 =	vshrl.u32 v2, $0x3;
	s0 =	sadd.s32 s0, s8;
	s25 =	simm.s32 $0x1;
	[dreg:$0x7] =	wrdreg s6  }
0x11: {  	v0 =	vand.u32 $0x7, v2;
	v2 =	vor.u32 $0x8, v2;
	v1 =	vmul.u32 $0x8, v1;
	s26 =	simm.s32 $0x4800;
	[dreg:$0x8] =	wrdreg s0;
	s0 =	simm.s32 $0x7000  }
.LBB2_1:
0x12: {  	s6 =	rddreg [dreg:$0x3]  }
0x13: {  	[tilespmem:s3], [sflag:$0x5] =	stream.linear.gather [hbm4b:s6+s3], $0x400, $0x38;
	[tilespmem:$0x9800] =	vst v63  }
0x14: {  	_ =	swait.ge [sflag:s13], $0x400  }
0x15: {  	[sflag:s13] =	ssyncset.done $0x0  }
0x16: {  	s7 =	simm.s32 $0xC00;
	s22 =	rddreg [dreg:$0x4];
	[sflag:s13] =	ssyncadd.s32 $0xFFFFFC00  }
0x17: {  	[tilespmem:s7], [sflag:$0x5] =	stream.linear.gather [hbm4b:s22+s3], $0x400, $0x38;
	[tilespmem:$0x9800] =	vst v63  }
0x18: {  	_ =	swait.ge [sflag:s13], $0x400  }
0x19: {  	[sflag:s13] =	ssyncset.done $0x0  }
0x1a: {  	s24 =	simm.s32 $0x400;
	s23 =	rddreg [dreg:$0x5];
	[sflag:s13] =	ssyncadd.s32 $0xFFFFFC00  }
0x1b: {  	[tilespmem:s24], [sflag:$0x5] =	stream.linear.gather [hbm4b:s23+s3], $0x400, $0x38;
	[tilespmem:$0x9800] =	vst v63  }
0x1c: {  	_ =	swait.ge [sflag:s13], $0x400  }
0x1d: {  	[sflag:s13] =	ssyncset.done $0x0  }
0x1e: {  	s9 =	simm.s32 $0x1000;
	s8 =	rddreg [dreg:$0x6];
	[sflag:s13] =	ssyncadd.s32 $0xFFFFFC00  }
0x1f: {  	[tilespmem:s9], [sflag:$0x5] =	stream.linear.gather [hbm4b:s8+s3], $0x400, $0x38;
	[tilespmem:$0x9800] =	vst v63  }
0x20: {  	_ =	swait.ge [sflag:s13], $0x400  }
0x21: {  	[sflag:s13] =	ssyncset.done $0x0  }
0x22: {  	s11 =	simm.s32 $0x800;
	s10 =	rddreg [dreg:$0x7];
	[sflag:s13] =	ssyncadd.s32 $0xFFFFFC00  }
0x23: {  	[tilespmem:s11], [sflag:$0x5] =	stream.linear.gather [hbm4b:s10+s3], $0x400, $0x38;
	[tilespmem:$0x9800] =	vst v63  }
0x24: {  	_ =	swait.ge [sflag:s13], $0x400  }
0x25: {  	[sflag:s13] =	ssyncset.done $0x0  }
0x26: {  	s16 =	simm.s32 $0x1400;
	s12 =	rddreg [dreg:$0x8];
	[sflag:s13] =	ssyncadd.s32 $0xFFFFFC00  }
0x27: {  	[tilespmem:s16], [sflag:$0x5] =	stream.linear.gather [hbm4b:s12+s3], $0x400, $0x38;
	[tilespmem:$0x9800] =	vst v63  }
0x28: {  	_ =	swait.ge [sflag:s13], $0x400  }
0x29: {  	[sflag:s13] =	ssyncset.done $0x0  }
0x2a: {  	[sflag:s13] =	ssyncadd.s32 $0xFFFFFC00  }
0x2b: {  	v3 =	vld [tilespmem:$0x0];
	_ =	sdelay $0x4  }
0x2c: {  	v4 =	vshll.u32 v3, $0x1  }
0x2d: {  	v3 =	vand.u32 $0x7, v3;
	v4 =	vand.u32 $0xFFFFFFF0, v4  }
0x2e: {  	v3 =	vor.u32 v3, v4  }
0x2f: {  	v4 =	vperm.xlane v3, v0;
	_ =	sdelay $0x1  }
0x30: {  	v3 =	vperm.xlane v3, v2;
	v4 =	vadd.s32 v1, v4;
	_ =	sdelay $0x1  }
0x31: {  	v3 =	vadd.s32 v1, v3;
	_ =	sdelay $0x1  }
0x32: {  	s19 =	simm.s32 $0x1800  }
0x33: {  	[tilespmem:s19], [sflag:$0x1] =	stream.indirect_vreg.gather [hbm4b:s4+s3], $0x80, v4, vm0, $0xb8;
	[tilespmem:$0x9800] =	vst v63  }
0x34: {  	s20 =	simm.s32 $0x2000  }
0x35: {  	[tilespmem:s20], [sflag:$0x1] =	stream.indirect_vreg.gather [hbm4b:s4+s3], $0x80, v3, vm0, $0xb8;
	[tilespmem:$0x9800] =	vst v63  }
0x36: {  	v3 =	vld [tilespmem:$0x400];
	_ =	sdelay $0x4  }
0x37: {  	v62 =	vshll.u32 v3, $0x1  }
0x38: {  	v3 =	vand.u32 $0x7, v3;
	v4 =	vand.u32 $0xFFFFFFF0, v62  }
0x39: {  	v3 =	vor.u32 v3, v4  }
0x3a: {  	v4 =	vperm.xlane v3, v0;
	_ =	sdelay $0x1  }
0x3b: {  	v3 =	vperm.xlane v3, v2;
	v4 =	vadd.s32 v1, v4;
	_ =	sdelay $0x1  }
0x3c: {  	v3 =	vadd.s32 v1, v3;
	_ =	sdelay $0x1  }
0x3d: {  	s21 =	simm.s32 $0x2800  }
0x3e: {  	[tilespmem:s21], [sflag:$0x1] =	stream.indirect_vreg.gather [hbm4b:s4+s3], $0x80, v4, vm0, $0xb8;
	[tilespmem:$0x9800] =	vst v63  }
0x3f: {  	s22 =	simm.s32 $0x3000  }
0x40: {  	[tilespmem:s22], [sflag:$0x1] =	stream.indirect_vreg.gather [hbm4b:s4+s3], $0x80, v3, vm0, $0xb8;
	[tilespmem:$0x9800] =	vst v63  }
0x41: {  	v3 =	vld [tilespmem:$0x800];
	_ =	sdelay $0x4  }
0x42: {  	v63 =	vshll.u32 v3, $0x1  }
0x43: {  	v3 =	vand.u32 $0x7, v3;
	v4 =	vand.u32 $0xFFFFFFF0, v63  }
0x44: {  	v3 =	vor.u32 v3, v4  }
0x45: {  	v4 =	vperm.xlane v3, v0;
	_ =	sdelay $0x1  }
0x46: {  	v3 =	vperm.xlane v3, v2;
	v4 =	vadd.s32 v1, v4;
	_ =	sdelay $0x1  }
0x47: {  	v3 =	vadd.s32 v1, v3;
	_ =	sdelay $0x1  }
0x48: {  	s23 =	simm.s32 $0x3800  }
0x49: {  	[tilespmem:s23], [sflag:$0x1] =	stream.indirect_vreg.gather [hbm4b:s4+s3], $0x80, v4, vm0, $0xb8;
	[tilespmem:$0x9800] =	vst v63  }
0x4a: {  	s24 =	simm.s32 $0x4000;
	s19 =	simm.s32 $0x0  }
0x4b: {  	[tilespmem:s24], [sflag:$0x1] =	stream.indirect_vreg.gather [hbm4b:s4+s3], $0x80, v3, vm0, $0xb8;
	[tilespmem:$0x9800] =	vst v63  }
.LBB2_2:
0x4c: {  	_ =	swait.ge [sflag:s25], $0x3000  }
0x4d: {  	[sflag:s25] =	ssyncset.done $0x0  }
0x4e: {  	s23 =	sshll.u32 s19, $0x5;
	[sflag:s25] =	ssyncadd.s32 $0xFFFFD000  }
0x4f: {  	v3 =	vld [tilespmem:s23+$0x10];
	_ =	sdelay $0x4  }
0x50: {  	v4 =	vshll.u32 v3, $0x1  }
0x51: {  	v3 =	vand.u32 $0x7, v3;
	v4 =	vand.u32 $0xFFFFFFF0, v4  }
0x52: {  	v3 =	vor.u32 v3, v4  }
0x53: {  	v4 =	vperm.xlane v3, v0;
	_ =	sdelay $0x1  }
0x54: {  	v3 =	vperm.xlane v3, v2;
	v4 =	vadd.s32 v1, v4;
	_ =	sdelay $0x1  }
0x55: {  	v3 =	vadd.s32 v1, v3;
	_ =	sdelay $0x2  }
0x56: {  	[tilespmem:s26], [sflag:$0x2] =	stream.indirect_vreg.gather [hbm4b:s4+s3], $0x80, v4, vm0, $0xb8;
	[tilespmem:$0x9800] =	vst v63  }
0x57: {  	s21 =	sor.u32 $0x410, s23  }
0x58: {  	[tilespmem:s28], [sflag:$0x2] =	stream.indirect_vreg.gather [hbm4b:s4+s3], $0x80, v3, vm0, $0xb8;
	[tilespmem:$0x9800] =	vst v63  }
0x59: {  	v3 =	vld [tilespmem:s21+$0x0];
	_ =	sdelay $0x4  }
0x5a: {  	v4 =	vshll.u32 v3, $0x1  }
0x5b: {  	v3 =	vand.u32 $0x7, v3;
	v4 =	vand.u32 $0xFFFFFFF0, v4  }
0x5c: {  	v3 =	vor.u32 v3, v4  }
0x5d: {  	v4 =	vperm.xlane v3, v0;
	_ =	sdelay $0x1  }
0x5e: {  	v3 =	vperm.xlane v3, v2;
	v4 =	vadd.s32 v1, v4;
	_ =	sdelay $0x1  }
0x5f: {  	v3 =	vadd.s32 v1, v3;
	_ =	sdelay $0x2  }
0x60: {  	[tilespmem:s29], [sflag:$0x2] =	stream.indirect_vreg.gather [hbm4b:s4+s3], $0x80, v4, vm0, $0xb8;
	[tilespmem:$0x9800] =	vst v63  }
0x61: {  	s22 =	sor.u32 $0x810, s23  }
0x62: {  	[tilespmem:s30], [sflag:$0x2] =	stream.indirect_vreg.gather [hbm4b:s4+s3], $0x80, v3, vm0, $0xb8;
	[tilespmem:$0x9800] =	vst v63  }
0x63: {  	v3 =	vld [tilespmem:s22+$0x0];
	_ =	sdelay $0x4  }
0x64: {  	v4 =	vshll.u32 v3, $0x1  }
0x65: {  	v3 =	vand.u32 $0x7, v3;
	v4 =	vand.u32 $0xFFFFFFF0, v4  }
0x66: {  	v3 =	vor.u32 v3, v4  }
0x67: {  	v4 =	vperm.xlane v3, v0;
	_ =	sdelay $0x1  }
0x68: {  	v3 =	vperm.xlane v3, v2;
	v4 =	vadd.s32 v1, v4;
	_ =	sdelay $0x1  }
0x69: {  	v3 =	vadd.s32 v1, v3;
	_ =	sdelay $0x1  }
0x6a: {  	p0 =	seq.s32 s19, $0x0  }
0x6b: {  	[tilespmem:s31], [sflag:$0x2] =	stream.indirect_vreg.gather [hbm4b:s4+s3], $0x80, v4, vm0, $0xb8;
	[tilespmem:$0x9800] =	vst v63  }
0x6c: {  	s6 =	simm.s32 @!p0 $0x3  }
0x6d: {  	[tilespmem:s0], [sflag:$0x2] =	stream.indirect_vreg.gather [hbm4b:s4+s3], $0x80, v3, vm0, $0xb8;
	[tilespmem:$0x9800] =	vst v63  }
0x6e: {  	_ =	swait.ge @!p0 [sflag:s6], $0x1000  }
0x6f: {  	[sflag:s6] =	ssyncset.done @!p0 $0x0  }
0x70: {  	[sflag:s6] =	ssyncadd.s32 @!p0 $0xFFFFF000  }
0x71: {  	s12 =	simm.s32 $0x0;
	s7 =	sand.u32 $0x3E0, s23;
	v7 =	vld [tilespmem:s23+$0xC00]  }
0x72: {  	s8 =	sand.u32 $0x800, s12;
	s9 =	sand.u32 $0x380, s12;
	v8 =	vld [tilespmem:s7+$0x1000]  }
0x73: {  	s24 =	sor.u32 s9, s8;
	v6 =	vld [tilespmem:s7+$0x1400]  }
0x74: {  	v9 =	vld [tilespmem:s24+$0x1810]  }
0x75: {  	v10 =	vld [tilespmem:s24+$0x2840]  }
0x76: {  	v11 =	vld [tilespmem:s24+$0x1850]  }
0x77: {  	v12 =	vld [tilespmem:s24+$0x3860]  }
0x78: {  	v13 =	vld [tilespmem:s24+$0x2810]  }
0x79: {  	v14 =	vld [tilespmem:s24+$0x1840]  }
0x7a: {  	v15 =	vld [tilespmem:s24+$0x1860]  }
0x7b: {  	v16 =	vld [tilespmem:s24+$0x2860]  }
0x7c: {  	v3 =	vmov s12;
	v17 =	vld [tilespmem:s24+$0x3810]  }
0x7d: {  	v3 =	vand.u32 $0xF, v3;
	v18 =	vld [tilespmem:s24+$0x2850]  }
0x7e: {  	v3 =	vbroadcast v3, $0x0;
	v19 =	vld [tilespmem:s24+$0x2830]  }
0x7f: {  	v22 =	vld [tilespmem:s24+$0x1800]  }
0x80: {  	v23 =	vld [tilespmem:s24+$0x2800];
	v5 =	vperm.xlane v7, v3;
	v4 =	vperm.xlane v8, v3  }
0x81: {  	v25 =	vld [tilespmem:s24+$0x2870];
	v3 =	vperm.xlane v6, v3  }
0x82: {  	v20 =	vld [tilespmem:s24+$0x1820];
	v15 =	vmul.f32 v15, v5;
	v16 =	vmul.f32 v16, v4  }
0x83: {  	v24 =	vld [tilespmem:s24+$0x1870];
	v14 =	vmul.f32 v14, v5;
	v12 =	vmul.f32 v12, v3  }
0x84: {  	v26 =	vld [tilespmem:s24+$0x3850];
	v10 =	vmul.f32 v10, v4;
	v22 =	vmul.f32 v22, v5  }
0x85: {  	v21 =	vld [tilespmem:s24+$0x3870];
	v23 =	vmul.f32 v23, v4;
	v11 =	vmul.f32 v11, v5  }
0x86: {  	v27 =	vld [tilespmem:s24+$0x2820];
	v18 =	vmul.f32 v18, v4;
	v25 =	vmul.f32 v25, v4;
	v15 =	vadd.f32 v16, v15  }
0x87: {  	v9 =	vmul.f32 v9, v5;
	v13 =	vmul.f32 v13, v4;
	v16 =	vld [tilespmem:s24+$0x3800]  }
0x88: {  	v10 =	vadd.f32 v10, v14;
	v14 =	vmul.f32 v24, v5;
	v12 =	vadd.f32 v12, v15;
	v15 =	vld [tilespmem:s24+$0x1830]  }
0x89: {  	v24 =	vld [tilespmem:s24+$0x3840];
	v22 =	vadd.f32 v23, v22;
	v11 =	vadd.f32 v18, v11;
	v23 =	vmul.f32 v26, v3  }
0x8a: {  	v19 =	vmul.f32 v19, v4;
	v21 =	vmul.f32 v21, v3;
	v18 =	vld [tilespmem:s24+$0x3830];
	v9 =	vadd.f32 v13, v9  }
0x8b: {  	v13 =	vmul.f32 v17, v3;
	v14 =	vadd.f32 v25, v14;
	v25 =	vld [tilespmem:s24+$0x3820];
	v11 =	vadd.f32 v23, v11  }
0x8c: {  	v20 =	vmul.f32 v20, v5;
	v16 =	vmul.f32 v16, v3  }
0x8d: {  	v9 =	vadd.f32 v13, v9;
	v14 =	vadd.f32 v21, v14;
	[tilespmem:s24+$0x7850] =	vst v11;
	v15 =	vmul.f32 v15, v5  }
0x8e: {  	v11 =	vmul.f32 v27, v4;
	[tilespmem:s24+$0x7860] =	vst v12;
	v21 =	vmul.f32 v24, v3;
	v16 =	vadd.f32 v16, v22  }
0x8f: {  	[tilespmem:s24+$0x7810] =	vst v9;
	v18 =	vmul.f32 v18, v3;
	v15 =	vadd.f32 v19, v15  }
0x90: {  	v11 =	vadd.f32 v11, v20;
	v10 =	vadd.f32 v21, v10;
	[tilespmem:s24+$0x7800] =	vst v16;
	v16 =	vmul.f32 v25, v3  }
0x91: {  	[tilespmem:s24+$0x7870] =	vst v14;
	v14 =	vadd.f32 v18, v15  }
0x92: {  	s6 =	sand.u32 $0xFFFFF800, s12;
	[tilespmem:s24+$0x7840] =	vst v10;
	v11 =	vadd.f32 v16, v11  }
0x93: {  	s6 =	sadd.s32 $0x0, s6;
	[tilespmem:s24+$0x7830] =	vst v14  }
0x94: {  	s10 =	sor.u32 $0x1400, s6;
	v23 =	vld [tilespmem:s24+$0x1C00];
	[tilespmem:s24+$0x7820] =	vst v11  }
0x95: {  	v9 =	vld [tilespmem:s10+$0x1800]  }
0x96: {  	s9 =	sor.u32 $0x2400, s6  }
0x97: {  	v10 =	vld [tilespmem:s9+$0x1800];
	_ =	sdelay $0x2  }
0x98: {  	v11 =	vmul.f32 v23, v5;
	v9 =	vmul.f32 v9, v4;
	_ =	sdelay $0x1  }
0x99: {  	v10 =	vmul.f32 v10, v3;
	v9 =	vadd.f32 v9, v11;
	_ =	sdelay $0x1  }
0x9a: {  	v9 =	vadd.f32 v10, v9;
	_ =	sdelay $0x1  }
0x9b: {  	v22 =	vld [tilespmem:s24+$0x1C10];
	[tilespmem:s24+$0x7C00] =	vst v9  }
0x9c: {  	v9 =	vld [tilespmem:s10+$0x1810];
	_ =	sdelay $0x1  }
0x9d: {  	v10 =	vld [tilespmem:s9+$0x1810];
	_ =	sdelay $0x2  }
0x9e: {  	v11 =	vmul.f32 v22, v5;
	v9 =	vmul.f32 v9, v4;
	_ =	sdelay $0x1  }
0x9f: {  	v10 =	vmul.f32 v10, v3;
	v9 =	vadd.f32 v9, v11;
	_ =	sdelay $0x1  }
0xa0: {  	v9 =	vadd.f32 v10, v9;
	_ =	sdelay $0x1  }
0xa1: {  	[tilespmem:s24+$0x7C10] =	vst v9;
	v9 =	vld [tilespmem:s24+$0x1C20]  }
0xa2: {  	v10 =	vld [tilespmem:s10+$0x1820]  }
0xa3: {  	s8 =	simm.s32 $0x100;
	s7 =	simm.s32 $0x80;
	v17 =	vld [tilespmem:s24+$0x1C30]  }
0xa4: {  	s16 =	sand.u32 $0x800, s8;
	s11 =	sand.u32 $0x380, s7;
	v12 =	vld [tilespmem:s9+$0x1820]  }
0xa5: {  	s6 =	sor.u32 s11, s16;
	v13 =	vld [tilespmem:s24+$0x1C40]  }
0xa6: {  	v14 =	vld [tilespmem:s6+$0x1810]  }
0xa7: {  	v15 =	vld [tilespmem:s6+$0x2840];
	v9 =	vmul.f32 v9, v5;
	v10 =	vmul.f32 v10, v4  }
0xa8: {  	v11 =	vld [tilespmem:s6+$0x1850]  }
0xa9: {  	s20 =	simm.s32 $0x1;
	v18 =	vld [tilespmem:s6+$0x3860];
	v12 =	vmul.f32 v12, v3;
	v9 =	vadd.f32 v10, v9  }
0xaa: {  	v16 =	vld [tilespmem:s6+$0x2810];
	v10 =	vmov s20  }
0xab: {  	v19 =	vld [tilespmem:s6+$0x1840];
	v10 =	vand.u32 $0xF, v10;
	v9 =	vadd.f32 v12, v9  }
0xac: {  	v21 =	vld [tilespmem:s6+$0x1860];
	v12 =	vbroadcast v10, $0x0  }
0xad: {  	v20 =	vld [tilespmem:s6+$0x2860];
	[tilespmem:s24+$0x7C20] =	vst v9  }
0xae: {  	v9 =	vperm.xlane v7, v12;
	v24 =	vld [tilespmem:s10+$0x1830]  }
0xaf: {  	v22 =	vmul.f32 v17, v5;
	v23 =	vld [tilespmem:s9+$0x1830]  }
0xb0: {  	s11 =	simm.s32 $0x2;
	s20 =	sor.u32 $0x10, s23;
	v10 =	vperm.xlane v8, v12;
	v17 =	vld [tilespmem:s6+$0x3810];
	v19 =	vmul.f32 v19, v9  }
.LBB2_3:
0xb1: {  	p0 =	sne.s32 s11, $0xF;
	v12 =	vperm.xlane v6, v12;
	v25 =	vld [tilespmem:s6+$0x2850];
	v21 =	vmul.f32 v21, v9;
	s12 =	smov.u32 s11;
	s11 =	sadd.s32 $0x1, s11  }
0xb2: {  	v14 =	vmul.f32 v14, v9;
	v26 =	vld [tilespmem:s6+$0x2830];
	v20 =	vmul.f32 v20, v10  }
0xb3: {  	v16 =	vmul.f32 v16, v10;
	v27 =	vld [tilespmem:s6+$0x1820];
	v24 =	vmul.f32 v24, v4  }
0xb4: {  	v18 =	vmul.f32 v18, v12;
	v20 =	vadd.f32 v20, v21;
	v21 =	vld [tilespmem:s6+$0x3870];
	v23 =	vmul.f32 v23, v3  }
0xb5: {  	v14 =	vadd.f32 v16, v14;
	v16 =	vmul.f32 v17, v12;
	v17 =	vld [tilespmem:s6+$0x2820];
	v22 =	vadd.f32 v24, v22  }
0xb6: {  	v15 =	vmul.f32 v15, v10;
	v24 =	vld [tilespmem:s6+$0x1830];
	v18 =	vadd.f32 v18, v20  }
0xb7: {  	v14 =	vadd.f32 v16, v14;
	v16 =	vmul.f32 v26, v10;
	v20 =	vld [tilespmem:s6+$0x1870];
	v22 =	vadd.f32 v23, v22  }
0xb8: {  	v15 =	vadd.f32 v15, v19;
	v23 =	vld [tilespmem:s6+$0x3830]  }
0xb9: {  	v19 =	vld [tilespmem:s6+$0x1800];
	v21 =	vmul.f32 v21, v12;
	[tilespmem:s24+$0x7C30] =	vst v22  }
0xba: {  	v22 =	vmul.f32 v27, v9;
	v17 =	vmul.f32 v17, v10;
	v26 =	vld [tilespmem:s10+$0x1840]  }
0xbb: {  	v24 =	vmul.f32 v24, v9;
	v27 =	vld [tilespmem:s9+$0x1840]  }
0xbc: {  	v28 =	vld [tilespmem:s6+$0x3800];
	v17 =	vadd.f32 v17, v22;
	v20 =	vmul.f32 v20, v9  }
0xbd: {  	v22 =	vld [tilespmem:s6+$0x2800];
	v16 =	vadd.f32 v16, v24;
	v23 =	vmul.f32 v23, v12  }
0xbe: {  	v29 =	vmul.f32 v13, v5;
	v24 =	vld [tilespmem:s6+$0x1C00]  }
0xbf: {  	v19 =	vmul.f32 v19, v9;
	v16 =	vadd.f32 v23, v16;
	v13 =	vld [tilespmem:s6+$0x1C10];
	v23 =	vmul.f32 v26, v4  }
0xc0: {  	v26 =	vmul.f32 v27, v3  }
0xc1: {  	v23 =	vadd.f32 v23, v29  }
0xc2: {  	v22 =	vmul.f32 v22, v10  }
0xc3: {  	v27 =	vld [tilespmem:s6+$0x3840];
	v23 =	vadd.f32 v26, v23  }
0xc4: {  	v19 =	vadd.f32 v22, v19;
	v22 =	vld [tilespmem:s24+$0x1C50]  }
0xc5: {  	v26 =	vld [tilespmem:s6+$0x3820];
	[tilespmem:s24+$0x7C40] =	vst v23  }
0xc6: {  	v23 =	vld [tilespmem:s10+$0x1850]  }
0xc7: {  	v29 =	vld [tilespmem:s9+$0x1850]  }
0xc8: {  	v27 =	vmul.f32 v27, v12;
	_ =	sdelay $0x1  }
0xc9: {  	v22 =	vmul.f32 v22, v5;
	v26 =	vmul.f32 v26, v12;
	v15 =	vadd.f32 v27, v15  }
0xca: {  	v27 =	vld [tilespmem:s6+$0x2870];
	v23 =	vmul.f32 v23, v4  }
0xcb: {  	v17 =	vadd.f32 v26, v17;
	v26 =	vmul.f32 v29, v3  }
0xcc: {  	v22 =	vadd.f32 v23, v22;
	_ =	sdelay $0x1  }
0xcd: {  	v23 =	vld [tilespmem:s6+$0x3850];
	v22 =	vadd.f32 v26, v22  }
0xce: {  	v26 =	vmul.f32 v27, v10  }
0xcf: {  	[tilespmem:s24+$0x7C50] =	vst v22;
	v22 =	vld [tilespmem:s24+$0x1C60]  }
0xd0: {  	v11 =	vmul.f32 v11, v9;
	v25 =	vmul.f32 v25, v10;
	v20 =	vadd.f32 v26, v20;
	v26 =	vld [tilespmem:s10+$0x1860]  }
0xd1: {  	v27 =	vld [tilespmem:s9+$0x1860]  }
0xd2: {  	v11 =	vadd.f32 v25, v11;
	v23 =	vmul.f32 v23, v12;
	v20 =	vadd.f32 v21, v20;
	_ =	sdelay $0x1  }
0xd3: {  	v11 =	vadd.f32 v23, v11;
	v21 =	vmul.f32 v22, v5  }
0xd4: {  	v22 =	vmul.f32 v26, v4  }
0xd5: {  	v23 =	vmul.f32 v27, v3  }
0xd6: {  	v21 =	vadd.f32 v22, v21;
	_ =	sdelay $0x1  }
0xd7: {  	v21 =	vadd.f32 v23, v21;
	_ =	sdelay $0x1  }
0xd8: {  	[tilespmem:s24+$0x7C60] =	vst v21;
	v21 =	vld [tilespmem:s24+$0x1C70]  }
0xd9: {  	v22 =	vmul.f32 v28, v12;
	v23 =	vld [tilespmem:s10+$0x1870]  }
0xda: {  	v25 =	vld [tilespmem:s9+$0x1870]  }
0xdb: {  	v19 =	vadd.f32 v22, v19  }
0xdc: {  	[tilespmem:s6+$0x7850] =	vst v11  }
0xdd: {  	[tilespmem:s6+$0x7800] =	vst v19;
	v11 =	vmul.f32 v21, v5;
	v5 =	vmov v9  }
0xde: {  	[tilespmem:s6+$0x7870] =	vst v20;
	v9 =	vmul.f32 v23, v4;
	v4 =	vmov v10  }
0xdf: {  	[tilespmem:s6+$0x7860] =	vst v18;
	v10 =	vmul.f32 v25, v3;
	v3 =	vmov v12  }
0xe0: {  	[tilespmem:s6+$0x7840] =	vst v15;
	v9 =	vadd.f32 v9, v11  }
0xe1: {  	[tilespmem:s6+$0x7830] =	vst v16  }
0xe2: {  	s9 =	sand.u32 $0xFFFFF800, s8;
	[tilespmem:s6+$0x7820] =	vst v17;
	v9 =	vadd.f32 v10, v9  }
0xe3: {  	s9 =	sadd.s32 s9, s7;
	[tilespmem:s6+$0x7810] =	vst v14  }
0xe4: {  	s10 =	sor.u32 $0x1400, s9;
	[tilespmem:s24+$0x7C70] =	vst v9;
	s24 =	smov.u32 s6  }
0xe5: {  	s9 =	sor.u32 $0x2400, s9;
	v9 =	vld [tilespmem:s10+$0x1800]  }
0xe6: {  	v10 =	vld [tilespmem:s9+$0x1800];
	_ =	sdelay $0x3  }
0xe7: {  	v11 =	vmul.f32 v24, v5;
	v9 =	vmul.f32 v9, v4  }
0xe8: {  	v10 =	vmul.f32 v10, v3  }
0xe9: {  	v9 =	vadd.f32 v9, v11;
	_ =	sdelay $0x1  }
0xea: {  	v9 =	vadd.f32 v10, v9;
	_ =	sdelay $0x1  }
0xeb: {  	[tilespmem:s24+$0x7C00] =	vst v9  }
0xec: {  	v9 =	vld [tilespmem:s10+$0x1810]  }
0xed: {  	v10 =	vld [tilespmem:s9+$0x1810];
	_ =	sdelay $0x3  }
0xee: {  	v11 =	vmul.f32 v13, v5;
	v9 =	vmul.f32 v9, v4  }
0xef: {  	v10 =	vmul.f32 v10, v3  }
0xf0: {  	v9 =	vadd.f32 v9, v11;
	_ =	sdelay $0x1  }
0xf1: {  	v9 =	vadd.f32 v10, v9;
	_ =	sdelay $0x1  }
0xf2: {  	[tilespmem:s24+$0x7C10] =	vst v9;
	v9 =	vld [tilespmem:s24+$0x1C20]  }
0xf3: {  	v10 =	vld [tilespmem:s10+$0x1820]  }
0xf4: {  	s8 =	sadd.s32 $0x100, s8;
	s7 =	sadd.s32 $0x80, s7;
	v12 =	vld [tilespmem:s9+$0x1820]  }
0xf5: {  	s16 =	sand.u32 $0x380, s7;
	s6 =	sand.u32 $0x800, s8;
	v13 =	vld [tilespmem:s24+$0x1C40]  }
0xf6: {  	s6 =	sor.u32 s16, s6;
	v17 =	vld [tilespmem:s24+$0x1C30]  }
0xf7: {  	v14 =	vld [tilespmem:s6+$0x1810]  }
0xf8: {  	v9 =	vmul.f32 v9, v5;
	v15 =	vld [tilespmem:s6+$0x2840];
	v10 =	vmul.f32 v10, v4  }
0xf9: {  	v11 =	vld [tilespmem:s6+$0x1850];
	v12 =	vmul.f32 v12, v3  }
0xfa: {  	v18 =	vld [tilespmem:s6+$0x3860];
	v9 =	vadd.f32 v10, v9  }
0xfb: {  	v10 =	vmov s12;
	v16 =	vld [tilespmem:s6+$0x2810]  }
0xfc: {  	v10 =	vand.u32 $0xF, v10;
	v19 =	vld [tilespmem:s6+$0x1840];
	v9 =	vadd.f32 v12, v9  }
.Ltmp0:
0xfd: {  	v12 =	vbroadcast v10, $0x0;
	v21 =	vld [tilespmem:s6+$0x1860];
	(pc) =	sbr.rel @p0 .LBB2_3-.Ltmp0, $4  }
0xfe: {  	v20 =	vld [tilespmem:s6+$0x2860];
	[tilespmem:s24+$0x7C20] =	vst v9  }
0xff: {  	v9 =	vperm.xlane v7, v12;
	v24 =	vld [tilespmem:s10+$0x1830]  }
0x100: {  	v22 =	vmul.f32 v17, v5;
	v23 =	vld [tilespmem:s9+$0x1830]  }
0x101: {  	v10 =	vperm.xlane v8, v12;
	v17 =	vld [tilespmem:s6+$0x3810];
	v19 =	vmul.f32 v19, v9  }
0x102: {  	v7 =	vld [tilespmem:s6+$0x2850]  }
0x103: {  	v8 =	vld [tilespmem:s6+$0x2830]  }
0x104: {  	v25 =	vld [tilespmem:s6+$0x1820];
	v24 =	vmul.f32 v24, v4  }
0x105: {  	v26 =	vld [tilespmem:s6+$0x3870]  }
0x106: {  	v27 =	vld [tilespmem:s6+$0x2820];
	v23 =	vmul.f32 v23, v3;
	v22 =	vadd.f32 v24, v22  }
0x107: {  	v28 =	vld [tilespmem:s6+$0x1870]  }
0x108: {  	v29 =	vld [tilespmem:s6+$0x1800];
	v22 =	vadd.f32 v23, v22  }
0x109: {  	v24 =	vld [tilespmem:s6+$0x1830]  }
0x10a: {  	v23 =	vld [tilespmem:s6+$0x3830];
	[tilespmem:s24+$0x7C30] =	vst v22  }
0x10b: {  	v22 =	vld [tilespmem:s10+$0x1840];
	_ =	sdelay $0x1  }
0x10c: {  	v30 =	vld [tilespmem:s9+$0x1840];
	_ =	sdelay $0x2  }
0x10d: {  	v13 =	vmul.f32 v13, v5;
	v61 =	vld [tilespmem:s24+$0x1C50];
	v22 =	vmul.f32 v22, v4  }
0x10e: {  	v31 =	vld [tilespmem:s6+$0x3800]  }
0x10f: {  	v32 =	vld [tilespmem:s6+$0x2800];
	v30 =	vmul.f32 v30, v3;
	v13 =	vadd.f32 v22, v13  }
0x110: {  	v33 =	vld [tilespmem:s6+$0x1C00]  }
0x111: {  	v34 =	vld [tilespmem:s6+$0x1C10];
	v13 =	vadd.f32 v30, v13  }
0x112: {  	v35 =	vld [tilespmem:s6+$0x3820]  }
0x113: {  	v22 =	vld [tilespmem:s6+$0x3840];
	[tilespmem:s24+$0x7C40] =	vst v13  }
0x114: {  	v13 =	vld [tilespmem:s10+$0x1850];
	_ =	sdelay $0x1  }
0x115: {  	v36 =	vld [tilespmem:s9+$0x1850];
	_ =	sdelay $0x2  }
0x116: {  	v30 =	vmul.f32 v61, v5;
	v13 =	vmul.f32 v13, v4;
	_ =	sdelay $0x1  }
0x117: {  	v36 =	vmul.f32 v36, v3;
	v13 =	vadd.f32 v13, v30;
	_ =	sdelay $0x1  }
0x118: {  	v62 =	vld [tilespmem:s6+$0x2870];
	v13 =	vadd.f32 v36, v13  }
0x119: {  	v63 =	vld [tilespmem:s6+$0x3850]  }
0x11a: {  	[tilespmem:s24+$0x7C50] =	vst v13;
	v13 =	vld [tilespmem:s24+$0x1C60]  }
0x11b: {  	v37 =	vld [tilespmem:s10+$0x1860];
	_ =	sdelay $0x1  }
0x11c: {  	v38 =	vld [tilespmem:s9+$0x1860]  }
0x11d: {  	v6 =	vperm.xlane v6, v12;
	v12 =	vmul.f32 v21, v9  }
0x11e: {  	v11 =	vmul.f32 v11, v9;
	v20 =	vmul.f32 v20, v10  }
0x11f: {  	v13 =	vmul.f32 v13, v5;
	v21 =	vmul.f32 v37, v4  }
0x120: {  	v15 =	vmul.f32 v15, v10;
	v18 =	vmul.f32 v18, v6;
	v12 =	vadd.f32 v20, v12  }
0x121: {  	v20 =	vmul.f32 v25, v9;
	v13 =	vadd.f32 v21, v13;
	v21 =	vmul.f32 v38, v3  }
0x122: {  	v15 =	vadd.f32 v15, v19;
	v25 =	vmul.f32 v27, v10;
	v7 =	vmul.f32 v7, v10  }
0x123: {  	v27 =	vmul.f32 v29, v9;
	v12 =	vadd.f32 v18, v12;
	v13 =	vadd.f32 v21, v13  }
0x124: {  	v7 =	vadd.f32 v7, v11;
	v18 =	vmul.f32 v62, v10;
	v11 =	vmul.f32 v63, v6  }
0x125: {  	v19 =	vadd.f32 v25, v20;
	v20 =	vld [tilespmem:s24+$0x1C70];
	v21 =	vmul.f32 v28, v9;
	[tilespmem:s24+$0x7C60] =	vst v13;
	v13 =	vmul.f32 v32, v10  }
0x126: {  	v7 =	vadd.f32 v11, v7;
	v11 =	vmul.f32 v14, v9;
	v14 =	vmul.f32 v26, v6  }
0x127: {  	v18 =	vadd.f32 v18, v21;
	v21 =	vmul.f32 v31, v6;
	v25 =	vld [tilespmem:s10+$0x1870];
	v13 =	vadd.f32 v13, v27  }
0x128: {  	v8 =	vmul.f32 v8, v10;
	v24 =	vmul.f32 v24, v9  }
0x129: {  	v14 =	vadd.f32 v14, v18;
	v13 =	vadd.f32 v21, v13;
	v21 =	vld [tilespmem:s9+$0x1870]  }
0x12a: {  	v8 =	vadd.f32 v8, v24;
	v5 =	vmul.f32 v20, v5;
	v18 =	vmul.f32 v23, v6;
	[tilespmem:s6+$0x7850] =	vst v7  }
0x12b: {  	v7 =	vmul.f32 v16, v10;
	v16 =	vmul.f32 v22, v6;
	[tilespmem:s6+$0x7870] =	vst v14  }
0x12c: {  	v22 =	vmul.f32 v35, v6;
	v8 =	vadd.f32 v18, v8;
	[tilespmem:s6+$0x7860] =	vst v12;
	v4 =	vmul.f32 v25, v4  }
0x12d: {  	[tilespmem:s6+$0x7800] =	vst v13;
	v13 =	vadd.f32 v16, v15;
	v7 =	vadd.f32 v7, v11;
	v11 =	vmul.f32 v17, v6  }
0x12e: {  	v12 =	vadd.f32 v22, v19;
	[tilespmem:s6+$0x7830] =	vst v8;
	v4 =	vadd.f32 v4, v5;
	v3 =	vmul.f32 v21, v3  }
0x12f: {  	[tilespmem:s6+$0x7840] =	vst v13;
	v5 =	vadd.f32 v11, v7  }
0x130: {  	s8 =	sand.u32 $0xFFFFF800, s8;
	[tilespmem:s6+$0x7820] =	vst v12;
	v3 =	vadd.f32 v3, v4  }
0x131: {  	s8 =	sadd.s32 s8, s7;
	[tilespmem:s6+$0x7810] =	vst v5  }
0x132: {  	s7 =	sor.u32 $0x1400, s8;
	[tilespmem:s24+$0x7C70] =	vst v3  }
0x133: {  	v3 =	vld [tilespmem:s7+$0x1800]  }
0x134: {  	s8 =	sor.u32 $0x2400, s8  }
0x135: {  	v4 =	vld [tilespmem:s8+$0x1800];
	_ =	sdelay $0x2  }
0x136: {  	v5 =	vmul.f32 v33, v9;
	v3 =	vmul.f32 v3, v10;
	_ =	sdelay $0x1  }
0x137: {  	v4 =	vmul.f32 v4, v6;
	v3 =	vadd.f32 v3, v5;
	_ =	sdelay $0x1  }
0x138: {  	v3 =	vadd.f32 v4, v3;
	_ =	sdelay $0x1  }
0x139: {  	[tilespmem:s6+$0x7C00] =	vst v3  }
0x13a: {  	v3 =	vld [tilespmem:s7+$0x1810];
	_ =	sdelay $0x1  }
0x13b: {  	v4 =	vld [tilespmem:s8+$0x1810];
	_ =	sdelay $0x2  }
0x13c: {  	v5 =	vmul.f32 v34, v9;
	v3 =	vmul.f32 v3, v10;
	_ =	sdelay $0x1  }
0x13d: {  	v4 =	vmul.f32 v4, v6;
	v3 =	vadd.f32 v3, v5;
	_ =	sdelay $0x1  }
0x13e: {  	v3 =	vadd.f32 v4, v3;
	_ =	sdelay $0x1  }
0x13f: {  	[tilespmem:s6+$0x7C10] =	vst v3;
	v3 =	vld [tilespmem:s6+$0x1C20]  }
0x140: {  	v4 =	vld [tilespmem:s7+$0x1820];
	_ =	sdelay $0x1  }
0x141: {  	v5 =	vld [tilespmem:s8+$0x1820];
	_ =	sdelay $0x2  }
0x142: {  	v3 =	vmul.f32 v3, v9;
	v4 =	vmul.f32 v4, v10;
	_ =	sdelay $0x1  }
0x143: {  	v5 =	vmul.f32 v5, v6;
	v3 =	vadd.f32 v4, v3;
	_ =	sdelay $0x1  }
0x144: {  	v3 =	vadd.f32 v5, v3;
	_ =	sdelay $0x1  }
0x145: {  	v5 =	vld [tilespmem:s6+$0x1C30];
	[tilespmem:s6+$0x7C20] =	vst v3  }
0x146: {  	v3 =	vld [tilespmem:s7+$0x1830];
	_ =	sdelay $0x1  }
0x147: {  	v7 =	vld [tilespmem:s8+$0x1830];
	_ =	sdelay $0x2  }
0x148: {  	v5 =	vmul.f32 v5, v9;
	v3 =	vmul.f32 v3, v10;
	_ =	sdelay $0x1  }
0x149: {  	v7 =	vmul.f32 v7, v6;
	v3 =	vadd.f32 v3, v5;
	_ =	sdelay $0x1  }
0x14a: {  	v3 =	vadd.f32 v7, v3;
	_ =	sdelay $0x1  }
0x14b: {  	v4 =	vld [tilespmem:s6+$0x1C40];
	[tilespmem:s6+$0x7C30] =	vst v3  }
0x14c: {  	v3 =	vld [tilespmem:s7+$0x1840];
	_ =	sdelay $0x1  }
0x14d: {  	v5 =	vld [tilespmem:s8+$0x1840];
	_ =	sdelay $0x2  }
0x14e: {  	v4 =	vmul.f32 v4, v9;
	v3 =	vmul.f32 v3, v10;
	_ =	sdelay $0x1  }
0x14f: {  	v5 =	vmul.f32 v5, v6;
	v3 =	vadd.f32 v3, v4;
	_ =	sdelay $0x1  }
0x150: {  	v3 =	vadd.f32 v5, v3;
	_ =	sdelay $0x1  }
0x151: {  	v4 =	vld [tilespmem:s6+$0x1C50];
	[tilespmem:s6+$0x7C40] =	vst v3  }
0x152: {  	v3 =	vld [tilespmem:s7+$0x1850];
	_ =	sdelay $0x1  }
0x153: {  	v5 =	vld [tilespmem:s8+$0x1850];
	_ =	sdelay $0x2  }
0x154: {  	v4 =	vmul.f32 v4, v9;
	v3 =	vmul.f32 v3, v10;
	_ =	sdelay $0x1  }
0x155: {  	v5 =	vmul.f32 v5, v6;
	v3 =	vadd.f32 v3, v4;
	_ =	sdelay $0x1  }
0x156: {  	v3 =	vadd.f32 v5, v3;
	_ =	sdelay $0x1  }
0x157: {  	[tilespmem:s6+$0x7C50] =	vst v3;
	v3 =	vld [tilespmem:s6+$0x1C60]  }
0x158: {  	v4 =	vld [tilespmem:s7+$0x1860];
	_ =	sdelay $0x1  }
0x159: {  	v5 =	vld [tilespmem:s8+$0x1860];
	_ =	sdelay $0x2  }
0x15a: {  	v3 =	vmul.f32 v3, v9;
	v4 =	vmul.f32 v4, v10;
	_ =	sdelay $0x1  }
0x15b: {  	v5 =	vmul.f32 v5, v6;
	v3 =	vadd.f32 v4, v3;
	_ =	sdelay $0x1  }
0x15c: {  	v3 =	vadd.f32 v5, v3;
	_ =	sdelay $0x1  }
0x15d: {  	[tilespmem:s6+$0x7C60] =	vst v3;
	v3 =	vld [tilespmem:s6+$0x1C70]  }
0x15e: {  	v4 =	vld [tilespmem:s7+$0x1870];
	_ =	sdelay $0x1  }
0x15f: {  	v5 =	vld [tilespmem:s8+$0x1870];
	_ =	sdelay $0x2  }
0x160: {  	v3 =	vmul.f32 v3, v9;
	v4 =	vmul.f32 v4, v10;
	_ =	sdelay $0x1  }
0x161: {  	v5 =	vmul.f32 v5, v6;
	v3 =	vadd.f32 v4, v3;
	_ =	sdelay $0x1  }
0x162: {  	s10 =	sadd.s32 s5, s23;
	v3 =	vadd.f32 v5, v3  }
0x163: {  	s7 =	sshll.u32 s10, $0x5  }
0x164: {  	s11 =	sadd.s32 s1, s7;
	[tilespmem:s6+$0x7C70] =	vst v3  }
0x165: {  	[hbm4b:s11+s3] =	stream.linear.scatter [tilespmem:s2], [sflag:$0x3], $0x1000, $0x38;
	[tilespmem:$0x9800] =	vst v63  }
0x166: {  	_ =	swait.ge [sflag:s14], $0x3000  }
0x167: {  	[sflag:s14] =	ssyncset.done $0x0  }
0x168: {  	p0 =	seq.s32 s19, $0x1F;
	[sflag:s14] =	ssyncadd.s32 $0xFFFFD000  }
0x169: {  	v3 =	vld @!p0 [tilespmem:s23+$0x20];
	_ =	sdelay $0x4  }
0x16a: {  	v4 =	vshll.u32 @!p0 v3, $0x1  }
0x16b: {  	v5 =	vlaneseq.u32 @!p0;
	v3 =	vand.u32 @!p0 $0x7, v3;
	v4 =	vand.u32 @!p0 $0xFFFFFFF0, v4  }
0x16c: {  	v6 =	vshrl.u32 @!p0 v5, $0x3;
	v3 =	vor.u32 @!p0 v3, v4;
	v4 =	vand.u32 @!p0 $0x7, v5  }
0x16d: {  	v6 =	vmul.u32 @!p0 $0x8, v6;
	v7 =	vperm.xlane @!p0 v3, v4  }
0x16e: {  	v5 =	vor.u32 @!p0 $0x8, v5  }
0x16f: {  	v3 =	vperm.xlane @!p0 v3, v5;
	v7 =	vadd.s32 @!p0 v6, v7;
	_ =	sdelay $0x1  }
0x170: {  	v3 =	vadd.s32 @!p0 v6, v3;
	_ =	sdelay $0x1  }
0x171: {  	vm1 =	vmmov @!p0 $0xffff;
	s7 =	simm.s32 @!p0 $0x1800;
	s6 =	simm.s32 @!p0 $0x0  }
0x172: {  	[tilespmem:s7], [sflag:$0x1] =	stream.indirect_vreg.gather @!p0 [hbm4b:s4+s6], $0x80, v7, vm1, $0xb8;
	[tilespmem:$0x9800] =	vst v63  }
0x173: {  	s7 =	simm.s32 @!p0 $0x2000  }
0x174: {  	[tilespmem:s7], [sflag:$0x1] =	stream.indirect_vreg.gather @!p0 [hbm4b:s4+s6], $0x80, v3, vm1, $0xb8;
	[tilespmem:$0x9800] =	vst v63  }
0x175: {  	v3 =	vld @!p0 [tilespmem:s23+$0x420];
	_ =	sdelay $0x4  }
0x176: {  	v7 =	vshll.u32 @!p0 v3, $0x1  }
0x177: {  	v3 =	vand.u32 @!p0 $0x7, v3;
	v7 =	vand.u32 @!p0 $0xFFFFFFF0, v7  }
0x178: {  	v3 =	vor.u32 @!p0 v3, v7  }
0x179: {  	v7 =	vperm.xlane @!p0 v3, v4;
	_ =	sdelay $0x1  }
0x17a: {  	v3 =	vperm.xlane @!p0 v3, v5;
	v7 =	vadd.s32 @!p0 v6, v7;
	_ =	sdelay $0x1  }
0x17b: {  	v3 =	vadd.s32 @!p0 v6, v3;
	_ =	sdelay $0x1  }
0x17c: {  	s7 =	simm.s32 @!p0 $0x2800  }
0x17d: {  	[tilespmem:s7], [sflag:$0x1] =	stream.indirect_vreg.gather @!p0 [hbm4b:s4+s6], $0x80, v7, vm1, $0xb8;
	[tilespmem:$0x9800] =	vst v63  }
0x17e: {  	s7 =	simm.s32 @!p0 $0x3000  }
0x17f: {  	[tilespmem:s7], [sflag:$0x1] =	stream.indirect_vreg.gather @!p0 [hbm4b:s4+s6], $0x80, v3, vm1, $0xb8;
	[tilespmem:$0x9800] =	vst v63  }
0x180: {  	v3 =	vld @!p0 [tilespmem:s23+$0x820];
	_ =	sdelay $0x4  }
0x181: {  	v7 =	vshll.u32 @!p0 v3, $0x1  }
0x182: {  	v3 =	vand.u32 @!p0 $0x7, v3;
	v7 =	vand.u32 @!p0 $0xFFFFFFF0, v7  }
0x183: {  	v3 =	vor.u32 @!p0 v3, v7  }
0x184: {  	v4 =	vperm.xlane @!p0 v3, v4;
	_ =	sdelay $0x1  }
0x185: {  	v3 =	vperm.xlane @!p0 v3, v5;
	v4 =	vadd.s32 @!p0 v6, v4;
	_ =	sdelay $0x1  }
0x186: {  	v3 =	vadd.s32 @!p0 v6, v3;
	_ =	sdelay $0x1  }
0x187: {  	s7 =	simm.s32 @!p0 $0x3800  }
0x188: {  	[tilespmem:s7], [sflag:$0x1] =	stream.indirect_vreg.gather @!p0 [hbm4b:s4+s6], $0x80, v4, vm1, $0xb8;
	[tilespmem:$0x9800] =	vst v63  }
0x189: {  	p1 =	seq.s32 @!p0 s19, $0x0;
	s7 =	simm.s32 @!p0 $0x4000  }
0x18a: {  	[tilespmem:s7], [sflag:$0x1] =	stream.indirect_vreg.gather @!p0 [hbm4b:s4+s6], $0x80, v3, vm1, $0xb8;
	[tilespmem:$0x9800] =	vst v63  }
0x18b: {  	p0 =	por p0, !p1  }
0x18c: {  	_ =	swait.ge @p0 [sflag:s17], $0x1000  }
0x18d: {  	[sflag:s17] =	ssyncset.done @p0 $0x0  }
0x18e: {  	[sflag:s17] =	ssyncadd.s32 @p0 $0xFFFFF000  }
0x18f: {  	s12 =	simm.s32 $0x0;
	v7 =	vld [tilespmem:s20+$0xC00]  }
0x190: {  	s16 =	sand.u32 $0x800, s12;
	v8 =	vld [tilespmem:s21+$0xC00];
	s21 =	sand.u32 $0x380, s12  }
0x191: {  	v6 =	vld [tilespmem:s22+$0xC00];
	s21 =	sor.u32 s21, s16  }
0x192: {  	v9 =	vld [tilespmem:s21+$0x4810]  }
0x193: {  	v10 =	vld [tilespmem:s21+$0x5840]  }
0x194: {  	v11 =	vld [tilespmem:s21+$0x4850]  }
0x195: {  	v12 =	vld [tilespmem:s21+$0x6860]  }
0x196: {  	v13 =	vld [tilespmem:s21+$0x5810]  }
0x197: {  	v14 =	vld [tilespmem:s21+$0x4840]  }
0x198: {  	v15 =	vld [tilespmem:s21+$0x4860]  }
0x199: {  	v16 =	vld [tilespmem:s21+$0x5860]  }
0x19a: {  	v3 =	vmov s12;
	v17 =	vld [tilespmem:s21+$0x6810]  }
0x19b: {  	v3 =	vand.u32 $0xF, v3;
	v18 =	vld [tilespmem:s21+$0x5850]  }
0x19c: {  	v3 =	vbroadcast v3, $0x0;
	v19 =	vld [tilespmem:s21+$0x5830]  }
0x19d: {  	v22 =	vld [tilespmem:s21+$0x4800]  }
0x19e: {  	v23 =	vld [tilespmem:s21+$0x5800];
	v5 =	vperm.xlane v7, v3;
	v4 =	vperm.xlane v8, v3  }
0x19f: {  	v25 =	vld [tilespmem:s21+$0x5870];
	v3 =	vperm.xlane v6, v3  }
0x1a0: {  	v20 =	vld [tilespmem:s21+$0x4820];
	v15 =	vmul.f32 v15, v5;
	v16 =	vmul.f32 v16, v4  }
0x1a1: {  	v24 =	vld [tilespmem:s21+$0x4870];
	v14 =	vmul.f32 v14, v5;
	v12 =	vmul.f32 v12, v3  }
0x1a2: {  	v26 =	vld [tilespmem:s21+$0x6850];
	v10 =	vmul.f32 v10, v4;
	v22 =	vmul.f32 v22, v5  }
0x1a3: {  	v21 =	vld [tilespmem:s21+$0x6870];
	v23 =	vmul.f32 v23, v4;
	v11 =	vmul.f32 v11, v5  }
0x1a4: {  	v27 =	vld [tilespmem:s21+$0x5820];
	v18 =	vmul.f32 v18, v4;
	v25 =	vmul.f32 v25, v4;
	v15 =	vadd.f32 v16, v15  }
0x1a5: {  	v9 =	vmul.f32 v9, v5;
	v13 =	vmul.f32 v13, v4;
	v16 =	vld [tilespmem:s21+$0x6800]  }
0x1a6: {  	v10 =	vadd.f32 v10, v14;
	v14 =	vmul.f32 v24, v5;
	v12 =	vadd.f32 v12, v15;
	v15 =	vld [tilespmem:s21+$0x4830]  }
0x1a7: {  	v24 =	vld [tilespmem:s21+$0x6840];
	v22 =	vadd.f32 v23, v22;
	v11 =	vadd.f32 v18, v11;
	v23 =	vmul.f32 v26, v3  }
0x1a8: {  	v19 =	vmul.f32 v19, v4;
	v21 =	vmul.f32 v21, v3;
	v18 =	vld [tilespmem:s21+$0x6830];
	v9 =	vadd.f32 v13, v9  }
0x1a9: {  	v13 =	vmul.f32 v17, v3;
	v14 =	vadd.f32 v25, v14;
	v25 =	vld [tilespmem:s21+$0x6820];
	v11 =	vadd.f32 v23, v11  }
0x1aa: {  	v20 =	vmul.f32 v20, v5;
	v16 =	vmul.f32 v16, v3  }
0x1ab: {  	v9 =	vadd.f32 v13, v9;
	v14 =	vadd.f32 v21, v14;
	[tilespmem:s21+$0x8850] =	vst v11;
	v15 =	vmul.f32 v15, v5  }
0x1ac: {  	v11 =	vmul.f32 v27, v4;
	[tilespmem:s21+$0x8860] =	vst v12;
	v21 =	vmul.f32 v24, v3;
	v16 =	vadd.f32 v16, v22  }
0x1ad: {  	[tilespmem:s21+$0x8810] =	vst v9;
	v18 =	vmul.f32 v18, v3;
	v15 =	vadd.f32 v19, v15  }
0x1ae: {  	v11 =	vadd.f32 v11, v20;
	v10 =	vadd.f32 v21, v10;
	[tilespmem:s21+$0x8800] =	vst v16;
	v16 =	vmul.f32 v25, v3  }
0x1af: {  	[tilespmem:s21+$0x8870] =	vst v14;
	v14 =	vadd.f32 v18, v15  }
0x1b0: {  	s6 =	sand.u32 $0xFFFFF800, s12;
	[tilespmem:s21+$0x8840] =	vst v10;
	v11 =	vadd.f32 v16, v11  }
0x1b1: {  	s6 =	sadd.s32 $0x0, s6;
	[tilespmem:s21+$0x8830] =	vst v14  }
0x1b2: {  	s10 =	sor.u32 $0x1400, s6;
	v23 =	vld [tilespmem:s21+$0x4C00];
	[tilespmem:s21+$0x8820] =	vst v11  }
0x1b3: {  	v9 =	vld [tilespmem:s10+$0x4800]  }
0x1b4: {  	s9 =	sor.u32 $0x2400, s6  }
0x1b5: {  	v10 =	vld [tilespmem:s9+$0x4800];
	_ =	sdelay $0x2  }
0x1b6: {  	v11 =	vmul.f32 v23, v5;
	v9 =	vmul.f32 v9, v4;
	_ =	sdelay $0x1  }
0x1b7: {  	v10 =	vmul.f32 v10, v3;
	v9 =	vadd.f32 v9, v11;
	_ =	sdelay $0x1  }
0x1b8: {  	v9 =	vadd.f32 v10, v9;
	_ =	sdelay $0x1  }
0x1b9: {  	v22 =	vld [tilespmem:s21+$0x4C10];
	[tilespmem:s21+$0x8C00] =	vst v9  }
0x1ba: {  	v9 =	vld [tilespmem:s10+$0x4810];
	_ =	sdelay $0x1  }
0x1bb: {  	v10 =	vld [tilespmem:s9+$0x4810];
	_ =	sdelay $0x2  }
0x1bc: {  	v11 =	vmul.f32 v22, v5;
	v9 =	vmul.f32 v9, v4;
	_ =	sdelay $0x1  }
0x1bd: {  	v10 =	vmul.f32 v10, v3;
	v9 =	vadd.f32 v9, v11;
	_ =	sdelay $0x1  }
0x1be: {  	v9 =	vadd.f32 v10, v9;
	_ =	sdelay $0x1  }
0x1bf: {  	[tilespmem:s21+$0x8C10] =	vst v9;
	v9 =	vld [tilespmem:s21+$0x4C20]  }
0x1c0: {  	v10 =	vld [tilespmem:s10+$0x4820]  }
0x1c1: {  	s8 =	simm.s32 $0x100;
	s7 =	simm.s32 $0x80;
	v17 =	vld [tilespmem:s21+$0x4C30]  }
0x1c2: {  	s23 =	sand.u32 $0x800, s8;
	s11 =	sand.u32 $0x380, s7;
	v12 =	vld [tilespmem:s9+$0x4820]  }
0x1c3: {  	s6 =	sor.u32 s11, s23;
	v13 =	vld [tilespmem:s21+$0x4C40]  }
0x1c4: {  	v14 =	vld [tilespmem:s6+$0x4810]  }
0x1c5: {  	v15 =	vld [tilespmem:s6+$0x5840];
	v9 =	vmul.f32 v9, v5;
	v10 =	vmul.f32 v10, v4  }
0x1c6: {  	v11 =	vld [tilespmem:s6+$0x4850]  }
0x1c7: {  	s24 =	simm.s32 $0x1;
	v18 =	vld [tilespmem:s6+$0x6860];
	v12 =	vmul.f32 v12, v3;
	v9 =	vadd.f32 v10, v9  }
0x1c8: {  	v16 =	vld [tilespmem:s6+$0x5810];
	v10 =	vmov s24  }
0x1c9: {  	v19 =	vld [tilespmem:s6+$0x4840];
	v10 =	vand.u32 $0xF, v10;
	v9 =	vadd.f32 v12, v9  }
0x1ca: {  	v21 =	vld [tilespmem:s6+$0x4860];
	v12 =	vbroadcast v10, $0x0  }
0x1cb: {  	v20 =	vld [tilespmem:s6+$0x5860];
	[tilespmem:s21+$0x8C20] =	vst v9  }
0x1cc: {  	v9 =	vperm.xlane v7, v12;
	v24 =	vld [tilespmem:s10+$0x4830]  }
0x1cd: {  	v22 =	vmul.f32 v17, v5;
	v23 =	vld [tilespmem:s9+$0x4830]  }
0x1ce: {  	s11 =	simm.s32 $0x2;
	v10 =	vperm.xlane v8, v12;
	v17 =	vld [tilespmem:s6+$0x6810];
	v19 =	vmul.f32 v19, v9  }
.LBB2_5:
0x1cf: {  	p0 =	sne.s32 s11, $0xF;
	v12 =	vperm.xlane v6, v12;
	v25 =	vld [tilespmem:s6+$0x5850];
	v21 =	vmul.f32 v21, v9;
	s12 =	smov.u32 s11;
	s11 =	sadd.s32 $0x1, s11  }
0x1d0: {  	v14 =	vmul.f32 v14, v9;
	v26 =	vld [tilespmem:s6+$0x5830];
	v20 =	vmul.f32 v20, v10  }
0x1d1: {  	v16 =	vmul.f32 v16, v10;
	v27 =	vld [tilespmem:s6+$0x4820];
	v24 =	vmul.f32 v24, v4  }
0x1d2: {  	v18 =	vmul.f32 v18, v12;
	v20 =	vadd.f32 v20, v21;
	v21 =	vld [tilespmem:s6+$0x6870];
	v23 =	vmul.f32 v23, v3  }
0x1d3: {  	v14 =	vadd.f32 v16, v14;
	v16 =	vmul.f32 v17, v12;
	v17 =	vld [tilespmem:s6+$0x5820];
	v22 =	vadd.f32 v24, v22  }
0x1d4: {  	v15 =	vmul.f32 v15, v10;
	v24 =	vld [tilespmem:s6+$0x4830];
	v18 =	vadd.f32 v18, v20  }
0x1d5: {  	v14 =	vadd.f32 v16, v14;
	v16 =	vmul.f32 v26, v10;
	v20 =	vld [tilespmem:s6+$0x4870];
	v22 =	vadd.f32 v23, v22  }
0x1d6: {  	v15 =	vadd.f32 v15, v19;
	v23 =	vld [tilespmem:s6+$0x6830]  }
0x1d7: {  	v19 =	vld [tilespmem:s6+$0x4800];
	v21 =	vmul.f32 v21, v12;
	[tilespmem:s21+$0x8C30] =	vst v22  }
0x1d8: {  	v22 =	vmul.f32 v27, v9;
	v17 =	vmul.f32 v17, v10;
	v26 =	vld [tilespmem:s10+$0x4840]  }
0x1d9: {  	v24 =	vmul.f32 v24, v9;
	v27 =	vld [tilespmem:s9+$0x4840]  }
0x1da: {  	v28 =	vld [tilespmem:s6+$0x6800];
	v17 =	vadd.f32 v17, v22;
	v20 =	vmul.f32 v20, v9  }
0x1db: {  	v22 =	vld [tilespmem:s6+$0x5800];
	v16 =	vadd.f32 v16, v24;
	v23 =	vmul.f32 v23, v12  }
0x1dc: {  	v29 =	vmul.f32 v13, v5;
	v24 =	vld [tilespmem:s6+$0x4C00]  }
0x1dd: {  	v19 =	vmul.f32 v19, v9;
	v16 =	vadd.f32 v23, v16;
	v13 =	vld [tilespmem:s6+$0x4C10];
	v23 =	vmul.f32 v26, v4  }
0x1de: {  	v26 =	vmul.f32 v27, v3  }
0x1df: {  	v23 =	vadd.f32 v23, v29  }
0x1e0: {  	v22 =	vmul.f32 v22, v10  }
0x1e1: {  	v27 =	vld [tilespmem:s6+$0x6840];
	v23 =	vadd.f32 v26, v23  }
0x1e2: {  	v19 =	vadd.f32 v22, v19;
	v22 =	vld [tilespmem:s21+$0x4C50]  }
0x1e3: {  	v26 =	vld [tilespmem:s6+$0x6820];
	[tilespmem:s21+$0x8C40] =	vst v23  }
0x1e4: {  	v23 =	vld [tilespmem:s10+$0x4850]  }
0x1e5: {  	v29 =	vld [tilespmem:s9+$0x4850]  }
0x1e6: {  	v27 =	vmul.f32 v27, v12;
	_ =	sdelay $0x1  }
0x1e7: {  	v22 =	vmul.f32 v22, v5;
	v26 =	vmul.f32 v26, v12;
	v15 =	vadd.f32 v27, v15  }
0x1e8: {  	v27 =	vld [tilespmem:s6+$0x5870];
	v23 =	vmul.f32 v23, v4  }
0x1e9: {  	v17 =	vadd.f32 v26, v17;
	v26 =	vmul.f32 v29, v3  }
0x1ea: {  	v22 =	vadd.f32 v23, v22;
	_ =	sdelay $0x1  }
0x1eb: {  	v23 =	vld [tilespmem:s6+$0x6850];
	v22 =	vadd.f32 v26, v22  }
0x1ec: {  	v26 =	vmul.f32 v27, v10  }
0x1ed: {  	[tilespmem:s21+$0x8C50] =	vst v22;
	v22 =	vld [tilespmem:s21+$0x4C60]  }
0x1ee: {  	v11 =	vmul.f32 v11, v9;
	v25 =	vmul.f32 v25, v10;
	v20 =	vadd.f32 v26, v20;
	v26 =	vld [tilespmem:s10+$0x4860]  }
0x1ef: {  	v27 =	vld [tilespmem:s9+$0x4860]  }
0x1f0: {  	v11 =	vadd.f32 v25, v11;
	v23 =	vmul.f32 v23, v12;
	v20 =	vadd.f32 v21, v20;
	_ =	sdelay $0x1  }
0x1f1: {  	v11 =	vadd.f32 v23, v11;
	v21 =	vmul.f32 v22, v5  }
0x1f2: {  	v22 =	vmul.f32 v26, v4  }
0x1f3: {  	v23 =	vmul.f32 v27, v3  }
0x1f4: {  	v21 =	vadd.f32 v22, v21;
	_ =	sdelay $0x1  }
0x1f5: {  	v21 =	vadd.f32 v23, v21;
	_ =	sdelay $0x1  }
0x1f6: {  	[tilespmem:s21+$0x8C60] =	vst v21;
	v21 =	vld [tilespmem:s21+$0x4C70]  }
0x1f7: {  	v22 =	vmul.f32 v28, v12;
	v23 =	vld [tilespmem:s10+$0x4870]  }
0x1f8: {  	v25 =	vld [tilespmem:s9+$0x4870]  }
0x1f9: {  	v19 =	vadd.f32 v22, v19  }
0x1fa: {  	[tilespmem:s6+$0x8850] =	vst v11  }
0x1fb: {  	[tilespmem:s6+$0x8800] =	vst v19;
	v11 =	vmul.f32 v21, v5;
	v5 =	vmov v9  }
0x1fc: {  	[tilespmem:s6+$0x8870] =	vst v20;
	v9 =	vmul.f32 v23, v4;
	v4 =	vmov v10  }
0x1fd: {  	[tilespmem:s6+$0x8860] =	vst v18;
	v10 =	vmul.f32 v25, v3;
	v3 =	vmov v12  }
0x1fe: {  	[tilespmem:s6+$0x8840] =	vst v15;
	v9 =	vadd.f32 v9, v11  }
0x1ff: {  	[tilespmem:s6+$0x8830] =	vst v16  }
0x200: {  	s9 =	sand.u32 $0xFFFFF800, s8;
	[tilespmem:s6+$0x8820] =	vst v17;
	v9 =	vadd.f32 v10, v9  }
0x201: {  	s9 =	sadd.s32 s9, s7;
	[tilespmem:s6+$0x8810] =	vst v14  }
0x202: {  	s10 =	sor.u32 $0x1400, s9;
	[tilespmem:s21+$0x8C70] =	vst v9;
	s21 =	smov.u32 s6  }
0x203: {  	s9 =	sor.u32 $0x2400, s9;
	v9 =	vld [tilespmem:s10+$0x4800]  }
0x204: {  	v10 =	vld [tilespmem:s9+$0x4800];
	_ =	sdelay $0x3  }
0x205: {  	v11 =	vmul.f32 v24, v5;
	v9 =	vmul.f32 v9, v4  }
0x206: {  	v10 =	vmul.f32 v10, v3  }
0x207: {  	v9 =	vadd.f32 v9, v11;
	_ =	sdelay $0x1  }
0x208: {  	v9 =	vadd.f32 v10, v9;
	_ =	sdelay $0x1  }
0x209: {  	[tilespmem:s21+$0x8C00] =	vst v9  }
0x20a: {  	v9 =	vld [tilespmem:s10+$0x4810]  }
0x20b: {  	v10 =	vld [tilespmem:s9+$0x4810];
	_ =	sdelay $0x3  }
0x20c: {  	v11 =	vmul.f32 v13, v5;
	v9 =	vmul.f32 v9, v4  }
0x20d: {  	v10 =	vmul.f32 v10, v3  }
0x20e: {  	v9 =	vadd.f32 v9, v11;
	_ =	sdelay $0x1  }
0x20f: {  	v9 =	vadd.f32 v10, v9;
	_ =	sdelay $0x1  }
0x210: {  	[tilespmem:s21+$0x8C10] =	vst v9;
	v9 =	vld [tilespmem:s21+$0x4C20]  }
0x211: {  	v10 =	vld [tilespmem:s10+$0x4820]  }
0x212: {  	s8 =	sadd.s32 $0x100, s8;
	s7 =	sadd.s32 $0x80, s7;
	v12 =	vld [tilespmem:s9+$0x4820]  }
0x213: {  	s16 =	sand.u32 $0x380, s7;
	s6 =	sand.u32 $0x800, s8;
	v13 =	vld [tilespmem:s21+$0x4C40]  }
0x214: {  	s6 =	sor.u32 s16, s6;
	v17 =	vld [tilespmem:s21+$0x4C30]  }
0x215: {  	v14 =	vld [tilespmem:s6+$0x4810]  }
0x216: {  	v9 =	vmul.f32 v9, v5;
	v15 =	vld [tilespmem:s6+$0x5840];
	v10 =	vmul.f32 v10, v4  }
0x217: {  	v11 =	vld [tilespmem:s6+$0x4850];
	v12 =	vmul.f32 v12, v3  }
0x218: {  	v18 =	vld [tilespmem:s6+$0x6860];
	v9 =	vadd.f32 v10, v9  }
0x219: {  	v10 =	vmov s12;
	v16 =	vld [tilespmem:s6+$0x5810]  }
0x21a: {  	v10 =	vand.u32 $0xF, v10;
	v19 =	vld [tilespmem:s6+$0x4840];
	v9 =	vadd.f32 v12, v9  }
.Ltmp1:
0x21b: {  	v12 =	vbroadcast v10, $0x0;
	v21 =	vld [tilespmem:s6+$0x4860];
	(pc) =	sbr.rel @p0 .LBB2_5-.Ltmp1, $4  }
0x21c: {  	v20 =	vld [tilespmem:s6+$0x5860];
	[tilespmem:s21+$0x8C20] =	vst v9  }
0x21d: {  	v9 =	vperm.xlane v7, v12;
	v24 =	vld [tilespmem:s10+$0x4830]  }
0x21e: {  	v22 =	vmul.f32 v17, v5;
	v23 =	vld [tilespmem:s9+$0x4830]  }
0x21f: {  	v10 =	vperm.xlane v8, v12;
	v17 =	vld [tilespmem:s6+$0x6810];
	v19 =	vmul.f32 v19, v9  }
0x220: {  	v7 =	vld [tilespmem:s6+$0x5850]  }
0x221: {  	v8 =	vld [tilespmem:s6+$0x5830]  }
0x222: {  	v25 =	vld [tilespmem:s6+$0x4820];
	v24 =	vmul.f32 v24, v4  }
0x223: {  	v26 =	vld [tilespmem:s6+$0x6870]  }
0x224: {  	v27 =	vld [tilespmem:s6+$0x5820];
	v23 =	vmul.f32 v23, v3;
	v22 =	vadd.f32 v24, v22  }
0x225: {  	v47 =	vld [tilespmem:s6+$0x4830]  }
0x226: {  	v28 =	vld [tilespmem:s6+$0x4870];
	v22 =	vadd.f32 v23, v22  }
0x227: {  	v48 =	vld [tilespmem:s6+$0x6830]  }
0x228: {  	v29 =	vld [tilespmem:s6+$0x4800];
	[tilespmem:s21+$0x8C30] =	vst v22  }
0x229: {  	v22 =	vld [tilespmem:s10+$0x4840];
	_ =	sdelay $0x1  }
0x22a: {  	v30 =	vld [tilespmem:s9+$0x4840];
	_ =	sdelay $0x2  }
0x22b: {  	v13 =	vmul.f32 v13, v5;
	v50 =	vld [tilespmem:s21+$0x4C50];
	v22 =	vmul.f32 v22, v4  }
0x22c: {  	v31 =	vld [tilespmem:s6+$0x6800]  }
0x22d: {  	v32 =	vld [tilespmem:s6+$0x5800];
	v30 =	vmul.f32 v30, v3;
	v13 =	vadd.f32 v22, v13  }
0x22e: {  	v33 =	vld [tilespmem:s6+$0x4C00]  }
0x22f: {  	v34 =	vld [tilespmem:s6+$0x4C10];
	v13 =	vadd.f32 v30, v13  }
0x230: {  	v49 =	vld [tilespmem:s6+$0x6840]  }
0x231: {  	v35 =	vld [tilespmem:s6+$0x6820];
	[tilespmem:s21+$0x8C40] =	vst v13  }
0x232: {  	v13 =	vld [tilespmem:s10+$0x4850];
	_ =	sdelay $0x1  }
0x233: {  	v36 =	vld [tilespmem:s9+$0x4850];
	_ =	sdelay $0x2  }
0x234: {  	v30 =	vmul.f32 v50, v5;
	v13 =	vmul.f32 v13, v4;
	_ =	sdelay $0x1  }
0x235: {  	v36 =	vmul.f32 v36, v3;
	v13 =	vadd.f32 v13, v30;
	_ =	sdelay $0x1  }
0x236: {  	v53 =	vld [tilespmem:s21+$0x4C60];
	v13 =	vadd.f32 v36, v13  }
0x237: {  	v51 =	vld [tilespmem:s6+$0x5870]  }
0x238: {  	v52 =	vld [tilespmem:s6+$0x6850];
	[tilespmem:s21+$0x8C50] =	vst v13  }
0x239: {  	v37 =	vld [tilespmem:s10+$0x4860];
	_ =	sdelay $0x1  }
0x23a: {  	v6 =	vperm.xlane v6, v12;
	v38 =	vld [tilespmem:s9+$0x4860]  }
0x23b: {  	v54 =	vmul.f32 v21, v9;
	v11 =	vmul.f32 v11, v9  }
0x23c: {  	v20 =	vmul.f32 v20, v10;
	v15 =	vmul.f32 v15, v10  }
0x23d: {  	v13 =	vmul.f32 v53, v5;
	v55 =	vmul.f32 v37, v4  }
0x23e: {  	v18 =	vmul.f32 v18, v6;
	v12 =	vadd.f32 v20, v54;
	v57 =	vmul.f32 v25, v9  }
0x23f: {  	v58 =	vmul.f32 v27, v10;
	v56 =	vmul.f32 v38, v3;
	v13 =	vadd.f32 v55, v13  }
0x240: {  	v15 =	vadd.f32 v15, v19;
	v59 =	vmul.f32 v28, v9;
	v60 =	vmul.f32 v29, v9  }
0x241: {  	v7 =	vmul.f32 v7, v10;
	v8 =	vmul.f32 v8, v10;
	v13 =	vadd.f32 v56, v13  }
0x242: {  	v12 =	vadd.f32 v18, v12;
	v24 =	vmul.f32 v47, v9;
	v62 =	vmul.f32 v51, v10  }
0x243: {  	v29 =	vld [tilespmem:s21+$0x4C70];
	v40 =	vmul.f32 v48, v6;
	v7 =	vadd.f32 v7, v11;
	v28 =	vmul.f32 v52, v6;
	[tilespmem:s21+$0x8C60] =	vst v13  }
0x244: {  	v18 =	vadd.f32 v62, v59;
	v30 =	vmul.f32 v31, v6;
	v36 =	vmul.f32 v26, v6;
	v31 =	vld [tilespmem:s10+$0x4870]  }
0x245: {  	v8 =	vadd.f32 v8, v24;
	v61 =	vmul.f32 v32, v10;
	v7 =	vadd.f32 v28, v7  }
0x246: {  	v32 =	vmul.f32 v14, v9;
	v39 =	vmul.f32 v49, v6;
	v14 =	vadd.f32 v36, v18;
	v37 =	vld [tilespmem:s9+$0x4870]  }
0x247: {  	v63 =	vadd.f32 v58, v57;
	v8 =	vadd.f32 v40, v8;
	[tilespmem:s6+$0x8850] =	vst v7  }
0x248: {  	v41 =	vmul.f32 v35, v6;
	v42 =	vadd.f32 v39, v15;
	v38 =	vmul.f32 v16, v10;
	[tilespmem:s6+$0x8870] =	vst v14  }
0x249: {  	v43 =	vmul.f32 v29, v5;
	v13 =	vadd.f32 v61, v60;
	[tilespmem:s6+$0x8860] =	vst v12;
	v44 =	vmul.f32 v31, v4  }
0x24a: {  	v45 =	vmul.f32 v17, v6;
	v46 =	vadd.f32 v41, v63;
	v7 =	vadd.f32 v38, v32;
	[tilespmem:s6+$0x8840] =	vst v42  }
0x24b: {  	[tilespmem:s6+$0x8830] =	vst v8;
	v13 =	vadd.f32 v30, v13;
	v3 =	vmul.f32 v37, v3;
	v4 =	vadd.f32 v44, v43  }
0x24c: {  	[tilespmem:s6+$0x8820] =	vst v46;
	v47 =	vadd.f32 v45, v7  }
0x24d: {  	s8 =	sand.u32 $0xFFFFF800, s8;
	[tilespmem:s6+$0x8800] =	vst v13;
	v3 =	vadd.f32 v3, v4  }
0x24e: {  	s8 =	sadd.s32 s8, s7;
	[tilespmem:s6+$0x8810] =	vst v47  }
0x24f: {  	s7 =	sor.u32 $0x1400, s8;
	[tilespmem:s21+$0x8C70] =	vst v3  }
0x250: {  	v3 =	vld [tilespmem:s7+$0x4800]  }
0x251: {  	s8 =	sor.u32 $0x2400, s8  }
0x252: {  	v48 =	vld [tilespmem:s8+$0x4800];
	_ =	sdelay $0x2  }
0x253: {  	v49 =	vmul.f32 v33, v9;
	v3 =	vmul.f32 v3, v10;
	_ =	sdelay $0x1  }
0x254: {  	v4 =	vmul.f32 v48, v6;
	v3 =	vadd.f32 v3, v49;
	_ =	sdelay $0x1  }
0x255: {  	v3 =	vadd.f32 v4, v3;
	_ =	sdelay $0x1  }
0x256: {  	[tilespmem:s6+$0x8C00] =	vst v3  }
0x257: {  	v3 =	vld [tilespmem:s7+$0x4810];
	_ =	sdelay $0x1  }
0x258: {  	v50 =	vld [tilespmem:s8+$0x4810];
	_ =	sdelay $0x2  }
0x259: {  	v51 =	vmul.f32 v34, v9;
	v3 =	vmul.f32 v3, v10;
	_ =	sdelay $0x1  }
0x25a: {  	v4 =	vmul.f32 v50, v6;
	v3 =	vadd.f32 v3, v51;
	_ =	sdelay $0x1  }
0x25b: {  	v3 =	vadd.f32 v4, v3;
	_ =	sdelay $0x1  }
0x25c: {  	[tilespmem:s6+$0x8C10] =	vst v3;
	v3 =	vld [tilespmem:s6+$0x4C20]  }
0x25d: {  	v52 =	vld [tilespmem:s7+$0x4820];
	_ =	sdelay $0x1  }
0x25e: {  	v53 =	vld [tilespmem:s8+$0x4820];
	_ =	sdelay $0x2  }
0x25f: {  	v3 =	vmul.f32 v3, v9;
	v4 =	vmul.f32 v52, v10;
	_ =	sdelay $0x1  }
0x260: {  	v5 =	vmul.f32 v53, v6;
	v3 =	vadd.f32 v4, v3;
	_ =	sdelay $0x1  }
0x261: {  	v3 =	vadd.f32 v5, v3;
	_ =	sdelay $0x1  }
0x262: {  	v55 =	vld [tilespmem:s6+$0x4C30];
	[tilespmem:s6+$0x8C20] =	vst v3  }
0x263: {  	v3 =	vld [tilespmem:s7+$0x4830];
	_ =	sdelay $0x1  }
0x264: {  	v56 =	vld [tilespmem:s8+$0x4830];
	_ =	sdelay $0x2  }
0x265: {  	v5 =	vmul.f32 v55, v9;
	v3 =	vmul.f32 v3, v10;
	_ =	sdelay $0x1  }
0x266: {  	v7 =	vmul.f32 v56, v6;
	v3 =	vadd.f32 v3, v5;
	_ =	sdelay $0x1  }
0x267: {  	v3 =	vadd.f32 v7, v3;
	_ =	sdelay $0x1  }
0x268: {  	v54 =	vld [tilespmem:s6+$0x4C40];
	[tilespmem:s6+$0x8C30] =	vst v3  }
0x269: {  	v3 =	vld [tilespmem:s7+$0x4840];
	_ =	sdelay $0x1  }
0x26a: {  	v57 =	vld [tilespmem:s8+$0x4840];
	_ =	sdelay $0x2  }
0x26b: {  	v4 =	vmul.f32 v54, v9;
	v3 =	vmul.f32 v3, v10;
	_ =	sdelay $0x1  }
0x26c: {  	v5 =	vmul.f32 v57, v6;
	v3 =	vadd.f32 v3, v4;
	_ =	sdelay $0x1  }
0x26d: {  	v3 =	vadd.f32 v5, v3;
	_ =	sdelay $0x1  }
0x26e: {  	v58 =	vld [tilespmem:s6+$0x4C50];
	[tilespmem:s6+$0x8C40] =	vst v3  }
0x26f: {  	v3 =	vld [tilespmem:s7+$0x4850];
	_ =	sdelay $0x1  }
0x270: {  	v59 =	vld [tilespmem:s8+$0x4850];
	_ =	sdelay $0x2  }
0x271: {  	v4 =	vmul.f32 v58, v9;
	v3 =	vmul.f32 v3, v10;
	_ =	sdelay $0x1  }
0x272: {  	v5 =	vmul.f32 v59, v6;
	v3 =	vadd.f32 v3, v4;
	_ =	sdelay $0x1  }
0x273: {  	v3 =	vadd.f32 v5, v3;
	_ =	sdelay $0x1  }
0x274: {  	[tilespmem:s6+$0x8C50] =	vst v3;
	v3 =	vld [tilespmem:s6+$0x4C60]  }
0x275: {  	v60 =	vld [tilespmem:s7+$0x4860];
	_ =	sdelay $0x1  }
0x276: {  	v61 =	vld [tilespmem:s8+$0x4860];
	_ =	sdelay $0x2  }
0x277: {  	v3 =	vmul.f32 v3, v9;
	v4 =	vmul.f32 v60, v10;
	_ =	sdelay $0x1  }
0x278: {  	v5 =	vmul.f32 v61, v6;
	v3 =	vadd.f32 v4, v3;
	_ =	sdelay $0x1  }
0x279: {  	v3 =	vadd.f32 v5, v3;
	_ =	sdelay $0x1  }
0x27a: {  	[tilespmem:s6+$0x8C60] =	vst v3;
	v3 =	vld [tilespmem:s6+$0x4C70]  }
0x27b: {  	v62 =	vld [tilespmem:s7+$0x4870];
	_ =	sdelay $0x1  }
0x27c: {  	v63 =	vld [tilespmem:s8+$0x4870];
	_ =	sdelay $0x2  }
0x27d: {  	v3 =	vmul.f32 v3, v9;
	v4 =	vmul.f32 v62, v10  }
0x27e: {  	s19 =	sadd.s32 $0x1, s19  }
0x27f: {  	p0 =	sne.s32 s19, $0x20;
	v5 =	vmul.f32 v63, v6;
	v3 =	vadd.f32 v4, v3  }
.Ltmp2:
0x280: {  	_ = 	snop;
	(pc) =	sbr.rel @p0 .LBB2_2-.Ltmp2, $4  }
0x281: {  	s23 =	sadd.s32 s5, s20;
	v3 =	vadd.f32 v5, v3  }
0x282: {  	s7 =	sshll.u32 s23, $0x5  }
0x283: {  	s24 =	sadd.s32 s1, s7;
	[tilespmem:s6+$0x8C70] =	vst v3  }
0x284: {  	[hbm4b:s24+s3] =	stream.linear.scatter [tilespmem:s15], [sflag:$0x4], $0x1000, $0x38;
	[tilespmem:$0x9800] =	vst v63  }
0x285: {  	s6 =	simm.s32 $0x3  }
0x286: {  	_ =	swait.ge [sflag:s6], $0x1000  }
0x287: {  	[sflag:s6] =	ssyncset.done $0x0  }
0x288: {  	[sflag:s6] =	ssyncadd.s32 $0xFFFFF000  }
0x289: {  	_ =	swait.ge [sflag:s17], $0x1000  }
0x28a: {  	s18 =	sadd.s32 $0x1, s18;
	s24 =	rddreg [dreg:$0x9]  }
0x28b: {  	p0 =	sne.s32 s18, s24  }
.Ltmp3:
0x28c: {  	_ = 	snop;
	(pc) =	sbr.rel @p0 .LBB2_1-.Ltmp3, $3  }
0x28d: {  	_ =	sdelay $0x1  }
0x28e: {  	[sflag:s17] =	ssyncset.done $0x0  }
0x28f: {  	[sflag:s17] =	ssyncadd.s32 $0xFFFFF000  }
0x290: {  	_ =	sfence.sel $0x180000  }
0x291: {  	[bflag:$0x0] =	sbarrier.arrive $0xFFFF  }
0x292: {  	_ =	strace $0x90000047  }
0x293: {  	s0 =	stileid.u32;
	[bflag:$0x2] =	sbarrier.arrive $0xFFFF  }
0x294: {  	p0 =	sne.s32 s0, $0x0;
	s0 =	rddreg [dreg:$0x2]  }
0x295: {  	s0 =	sadd.s32 @!p0 $0x100000, s0  }
0x296: {  	[sflag:s0] =	ssyncadd.tile.s32 @!p0 $0x1;
	_ =	shalt  }
.Lfunc_end2:
_tile_overlayer_lowered:
.L_overlay_start_2:
0x297: {  	(tag) =	ssettag $0x2  }
0x298: {  	s0 =	rddreg [dreg:$0x0];
	s2 =	stileid.u32  }
0x299: {  	s1 =	rddreg [dreg:$0x1];
	p0 =	sne.s32 s2, $0x0  }
0x29a: {  	s3 =	rddreg [dreg:$0x2];
	[bflag:$0x3] =	sbarrier.arrive $0xFFFF;
	s2 =	simm.s32 @!p0 $0x1C05  }
0x29b: {  	[timem:s3], [sflag:s2] =	dma.local @!p0 [hbm:s0], s1  }
0x29c: {  	s0 =	simm.s32 @!p0 $0x5  }
0x29d: {  	_ =	swait.ge @!p0 [sflag:s0], s1  }
0x29e: {  	s1 =	ssub.s32 @!p0 $0x0, s1;
	[sflag:s0] =	ssyncset.done @!p0 $0x0  }
0x29f: {  	[sflag:s0] =	ssyncadd.s32 @!p0 s1  }
0x2a0: {  	[bflag:$0x3] =	sbarrier.arrive $0xFFFF  }
0x2a1: {  	_ =	shalt  }

</sc_bundles>
